<compile_context>
chip_gen: v7x
topology: tpu7x:2x2x1
jax: 0.10.2.dev20260603
libtpu: 0.0.44.dev20260713+nightly
codegen_flags: <defaults>
</compile_context>

<pallas_src>
import functools

import jax
import jax.numpy as jnp
from jax import lax
from jax.experimental import pallas as pl
from jax.experimental.pallas import tpu as pltpu
from jax.experimental.pallas import tpu_sc as plsc

F = 26
V = 100000
D = 16
B = 16384
IN = F * D
NUM_CROSS = 3
NUM_LINEAR = 2

NC = 2
NS = 16
NW = NC * NS
R = B * F
RW = R // NW
S = 128
SPW = RW // S
K = 13
CH = SPW // K


def _sc_gather(table_flat, idx2d):
    mesh = plsc.VectorSubcoreMesh(core_axis_name="c", subcore_axis_name="s")

    @functools.partial(
        pl.kernel,
        out_type=jax.ShapeDtypeStruct((R, D), jnp.float32),
        mesh=mesh,
        scratch_types=[
            pltpu.VMEM((SPW, S), jnp.int32),
            pltpu.VMEM((2, K * S, D), jnp.float32),
            pltpu.SemaphoreType.DMA,
        ],
        compiler_params=pltpu.CompilerParams(use_tc_tiling_on_sc=False),
    )
    def gather_kernel(table_hbm, idx_hbm, out_hbm, idx_v, rows_v, sem):
        wid = lax.axis_index("s") * NC + lax.axis_index("c")
        pltpu.sync_copy(idx_hbm.at[pl.ds(wid * SPW, SPW)], idx_v)

        def fire(c, buf):
            for j in range(K):
                pltpu.make_async_copy(
                    table_hbm.at[idx_v.at[c * K + j]],
                    rows_v.at[buf, pl.ds(j * S, S)],
                    sem,
                ).start()

        def drain_and_flush(c, buf):
            pltpu.make_async_copy(
                out_hbm.at[pl.ds(0, K * S)], rows_v.at[buf], sem
            ).wait()
            orow = wid * RW + c * (K * S)
            pltpu.sync_copy(rows_v.at[buf], out_hbm.at[pl.ds(orow, K * S)])

        fire(0, 0)

        def chunk(c, carry):
            fire(c, c % 2)
            drain_and_flush(c - 1, (c - 1) % 2)
            return carry

        lax.fori_loop(1, CH, chunk, 0)
        drain_and_flush(CH - 1, (CH - 1) % 2)

    return gather_kernel(table_flat, idx2d)


def _bdot(a, b_ref):
    return jnp.dot(a.astype(jnp.bfloat16), b_ref,
                   preferred_element_type=jnp.float32)


def _dcn_body(x_ref, wcin_ref, bcin_ref, wcout_ref, bcout_ref,
              wlin_ref, blin_ref, wout_ref, bout_ref, out_ref):
    x0 = x_ref[...]
    x = x0
    for i in range(NUM_CROSS):
        h = _bdot(x, wcin_ref[i]) + bcin_ref[i]
        h = jax.nn.gelu(_bdot(h, wcout_ref[i]) + bcout_ref[i])
        x = x0 * h + x
    for i in range(NUM_LINEAR):
        x = jax.nn.gelu(_bdot(x, wlin_ref[i]) + blin_ref[i])
    out_ref[...] = _bdot(x, wout_ref[...]) + bout_ref[...]


def _tc_dense(X, W_cin, b_cin, W_cout, b_cout, W_lin, b_lin, W_out, b_out):
    BT = 1024
    grid = (B // BT,)
    full = lambda shape: pl.BlockSpec(shape, lambda i: (0,) * len(shape))
    return pl.pallas_call(
        _dcn_body,
        grid=grid,
        in_specs=[
            pl.BlockSpec((BT, IN), lambda i: (i, 0)),
            full((NUM_CROSS, IN, IN)),
            full((NUM_CROSS, 1, IN)),
            full((NUM_CROSS, IN, IN)),
            full((NUM_CROSS, 1, IN)),
            full((NUM_LINEAR, IN, IN)),
            full((NUM_LINEAR, 1, IN)),
            full((IN, 1)),
            full((1, 1)),
        ],
        out_specs=pl.BlockSpec((BT, 1), lambda i: (i, 0)),
        out_shape=jax.ShapeDtypeStruct((B, 1), jnp.float32),
        compiler_params=pltpu.CompilerParams(
            dimension_semantics=("arbitrary",),
        ),
    )(X, W_cin.astype(jnp.bfloat16), b_cin.reshape(NUM_CROSS, 1, IN),
      W_cout.astype(jnp.bfloat16), b_cout.reshape(NUM_CROSS, 1, IN),
      W_lin.astype(jnp.bfloat16), b_lin.reshape(NUM_LINEAR, 1, IN),
      W_out.astype(jnp.bfloat16), b_out.reshape(1, 1))


def kernel(inputs, emb_tables, W_cin, b_cin, W_cout, b_cout, W_lin, b_lin,
           W_out, b_out):
    offs = (jnp.arange(F, dtype=jnp.int32) * V)[None, :]
    idx2d = (inputs + offs).reshape(R // S, S)
    X = _sc_gather(emb_tables.reshape(F * V, D), idx2d).reshape(B, IN)
    return _tc_dense(X, W_cin, b_cin, W_cout, b_cout, W_lin, b_lin,
                     W_out, b_out)

# --- scband reference (transcript-rebuilt; emitter-appended) ---
"""Pipeline reference for scband-dcnv2-71820443123940 (READ-ONLY COPY).

The authoritative reference and input builder live on the scoring server;
editing this copy changes nothing except your own understanding.
"""

import jax, jax.numpy as jnp
import numpy as np

NUM_FEATURES = 26
VOCAB = 100000
FEAT_DIM = 16
INPUT_DIM = NUM_FEATURES * FEAT_DIM  # 416
OUT_DIM = 1
NUM_CROSS = 3
NUM_LINEAR = 2
BATCH = 16384


def setup_inputs(seed: int = 0) -> dict:
    key = jax.random.key(seed)
    ks = jax.random.split(key, 12)
    inputs = jax.random.randint(ks[0], (BATCH, NUM_FEATURES), 0, VOCAB, dtype=jnp.int32)
    # all 26 vocabs are equal, so stack the embedding tables: [F, V, D]
    emb_tables = jax.random.normal(ks[1], (NUM_FEATURES, VOCAB, FEAT_DIM), dtype=jnp.float32) * 0.02
    W_cin = jax.random.normal(ks[2], (NUM_CROSS, INPUT_DIM, INPUT_DIM), dtype=jnp.float32) * 0.02
    b_cin = jnp.zeros((NUM_CROSS, INPUT_DIM), dtype=jnp.float32)
    W_cout = jax.random.normal(ks[3], (NUM_CROSS, INPUT_DIM, INPUT_DIM), dtype=jnp.float32) * 0.02
    b_cout = jnp.zeros((NUM_CROSS, INPUT_DIM), dtype=jnp.float32)
    W_lin = jax.random.normal(ks[4], (NUM_LINEAR, INPUT_DIM, INPUT_DIM), dtype=jnp.float32) * 0.02
    b_lin = jnp.zeros((NUM_LINEAR, INPUT_DIM), dtype=jnp.float32)
    W_out = jax.random.normal(ks[5], (INPUT_DIM, OUT_DIM), dtype=jnp.float32) * 0.02
    b_out = jnp.zeros((OUT_DIM,), dtype=jnp.float32)
    return {"inputs": inputs, "emb_tables": emb_tables,
            "W_cin": W_cin, "b_cin": b_cin, "W_cout": W_cout, "b_cout": b_cout,
            "W_lin": W_lin, "b_lin": b_lin, "W_out": W_out, "b_out": b_out}


def reference(inputs, emb_tables, W_cin, b_cin, W_cout, b_cout, W_lin, b_lin, W_out, b_out):
    # per-field embedding lookup (gather), then concat -> [B, F*D]
    feats = [jnp.take(emb_tables[i], inputs[:, i], axis=0) for i in range(NUM_FEATURES)]
    X = jnp.concatenate(feats, axis=1)
    X0 = X
    # DCNv2-style cross layers: X = X0 * gelu(Dense(Dense(X))) + X
    for i in range(NUM_CROSS):
        h = jnp.dot(X, W_cin[i]) + b_cin[i]
        h = jax.nn.gelu(jnp.dot(h, W_cout[i]) + b_cout[i])
        X = X0 * h + X
    # deep part
    for i in range(NUM_LINEAR):
        X = jax.nn.gelu(jnp.dot(X, W_lin[i]) + b_lin[i])
    return jnp.dot(X, W_out) + b_out

if __name__ == "__main__":
    import jax
    _d = setup_inputs()
    print(jax.jit(kernel)(*tuple(_d.values())))

</pallas_src>

<mosaic_0001>
#map = affine_map<(d0, d1) -> (0, 0)>
module attributes {stable_mosaic.version = 14 : i64} {
  func.func @gather_kernel(%arg0: i32, %arg1: i32, %arg2: memref<2600000x16xf32, #tpu.memory_space<hbm>>, %arg3: memref<3328x128xi32, #tpu.memory_space<hbm>>, %arg4: memref<425984x16xf32, #tpu.memory_space<hbm>>, %arg5: memref<104x128xi32, #tpu.memory_space<vmem>>, %arg6: memref<2x1664x16xf32, #tpu.memory_space<vmem>>, %arg7: memref<!tpu.dma_semaphore, #tpu.memory_space<semaphore_mem>>) attributes {dimension_semantics = [#tpu.dimension_semantics<core_parallel>, #tpu.dimension_semantics<subcore_parallel>], iteration_bounds = array<i64: 2, 16>, scalar_prefetch = 0 : i64, scratch_operands = 3 : i64, tpu.core_type = #tpu.core_type<sc_vector_subcore>, window_params = [{transform_indices = #map}, {transform_indices = #map}, {transform_indices = #map}]} {
    %mul3A = arith.constant 2 : i32
    %mul3A_0 = arith.muli %arg1, %mul3A : i32
    %add3A = arith.addi %mul3A_0, %arg0 : i32
    %mul3A_1 = arith.constant 104 : i32
    %mul3A_2 = arith.muli %add3A, %mul3A_1 : i32
    "tpu.region"() ({
      %run_scoped3A_181 = tpu.sem_alloc : memref<!tpu.dma_semaphore, #tpu.memory_space<semaphore_mem>>
      %dma_start3A_182 = arith.constant 0 : i32
      %dma_start3A_183 = tpu.memref_slice %arg3[%mul3A_2, %dma_start3A_182] : memref<3328x128xi32, #tpu.memory_space<hbm>> -> memref<104x128xi32, #tpu.memory_space<hbm>>
      %dma_start3A_184 = arith.constant 0 : i32
      %dma_start3A_185 = tpu.memref_slice %arg3[%mul3A_2, %dma_start3A_184] : memref<3328x128xi32, #tpu.memory_space<hbm>> -> memref<104x128xi32, #tpu.memory_space<hbm>>
      tpu.enqueue_dma source(%dma_start3A_185 : memref<104x128xi32, #tpu.memory_space<hbm>>) target(%arg5 : memref<104x128xi32, #tpu.memory_space<vmem>>) target_semaphore(%run_scoped3A_181 : memref<!tpu.dma_semaphore, #tpu.memory_space<semaphore_mem>>)
      %dma_wait3A_186 = arith.constant 0 : i32
      %dma_wait3A_187 = tpu.memref_slice %arg3[%mul3A_2, %dma_wait3A_186] : memref<3328x128xi32, #tpu.memory_space<hbm>> -> memref<104x128xi32, #tpu.memory_space<hbm>>
      %dma_wait3A_188 = arith.constant 0 : i32
      %dma_wait3A_189 = tpu.memref_slice %arg3[%mul3A_2, %dma_wait3A_188] : memref<3328x128xi32, #tpu.memory_space<hbm>> -> memref<104x128xi32, #tpu.memory_space<hbm>>
      tpu.wait_dma2 semaphore(%run_scoped3A_181 : memref<!tpu.dma_semaphore, #tpu.memory_space<semaphore_mem>>) src(%dma_wait3A_189 : memref<104x128xi32, #tpu.memory_space<hbm>>) dst(%arg5 : memref<104x128xi32, #tpu.memory_space<vmem>>)
      tpu.yield
    }) : () -> ()
    %dma_start3A = arith.constant 0 : i32
    %dma_start3A_3 = arith.constant 0 : i32
    %dma_start3A_4 = arith.constant 0 : i32
    %dma_start3A_5 = arith.constant 0 : i32
    %dma_start3A_6 = tpu.memref_slice %arg6[%dma_start3A_3, %dma_start3A_4, %dma_start3A_5] : memref<2x1664x16xf32, #tpu.memory_space<vmem>> -> memref<1x128x16xf32, #tpu.memory_space<vmem>>
    %dma_start3A_7 = tpu.memref_squeeze %dma_start3A_6 : memref<1x128x16xf32, #tpu.memory_space<vmem>> -> memref<128x16xf32, #tpu.memory_space<vmem>>
    %dma_start3A_8 = arith.constant 0 : i32
    %dma_start3A_9 = tpu.memref_slice %arg5[%dma_start3A, %dma_start3A_8] : memref<104x128xi32, #tpu.memory_space<vmem>> -> memref<1x128xi32, #tpu.memory_space<vmem>>
    %dma_start3A_10 = tpu.memref_squeeze %dma_start3A_9 : memref<1x128xi32, #tpu.memory_space<vmem>> -> memref<128xi32, #tpu.memory_space<vmem>>
    %dma_start3A_11 = arith.constant 0 : i32
    %dma_start3A_12 = arith.constant 0 : i32
    %dma_start3A_13 = tpu.memref_slice %arg2[%dma_start3A_11, %dma_start3A_12] : memref<2600000x16xf32, #tpu.memory_space<hbm>> -> memref<2600000x16xf32, #tpu.memory_space<hbm>>
    tpu.enqueue_indirect_dma source(%dma_start3A_13 : memref<2600000x16xf32, #tpu.memory_space<hbm>>) target(%dma_start3A_7 : memref<128x16xf32, #tpu.memory_space<vmem>>) offsets(%dma_start3A_10 : memref<128xi32, #tpu.memory_space<vmem>>) semaphore(%arg7 : memref<!tpu.dma_semaphore, #tpu.memory_space<semaphore_mem>>)
    %dma_start3A_14 = arith.constant 1 : i32
    %dma_start3A_15 = arith.constant 0 : i32
    %dma_start3A_16 = arith.constant 128 : i32
    %dma_start3A_17 = arith.constant 0 : i32
    %dma_start3A_18 = tpu.memref_slice %arg6[%dma_start3A_15, %dma_start3A_16, %dma_start3A_17] : memref<2x1664x16xf32, #tpu.memory_space<vmem>> -> memref<1x128x16xf32, #tpu.memory_space<vmem>>
    %dma_start3A_19 = tpu.memref_squeeze %dma_start3A_18 : memref<1x128x16xf32, #tpu.memory_space<vmem>> -> memref<128x16xf32, #tpu.memory_space<vmem>>
    %dma_start3A_20 = arith.constant 0 : i32
    %dma_start3A_21 = tpu.memref_slice %arg5[%dma_start3A_14, %dma_start3A_20] : memref<104x128xi32, #tpu.memory_space<vmem>> -> memref<1x128xi32, #tpu.memory_space<vmem>>
    %dma_start3A_22 = tpu.memref_squeeze %dma_start3A_21 : memref<1x128xi32, #tpu.memory_space<vmem>> -> memref<128xi32, #tpu.memory_space<vmem>>
    %dma_start3A_23 = arith.constant 0 : i32
    %dma_start3A_24 = arith.constant 0 : i32
    %dma_start3A_25 = tpu.memref_slice %arg2[%dma_start3A_23, %dma_start3A_24] : memref<2600000x16xf32, #tpu.memory_space<hbm>> -> memref<2600000x16xf32, #tpu.memory_space<hbm>>
    tpu.enqueue_indirect_dma source(%dma_start3A_25 : memref<2600000x16xf32, #tpu.memory_space<hbm>>) target(%dma_start3A_19 : memref<128x16xf32, #tpu.memory_space<vmem>>) offsets(%dma_start3A_22 : memref<128xi32, #tpu.memory_space<vmem>>) semaphore(%arg7 : memref<!tpu.dma_semaphore, #tpu.memory_space<semaphore_mem>>)
    %dma_start3A_26 = arith.constant 2 : i32
    %dma_start3A_27 = arith.constant 0 : i32
    %dma_start3A_28 = arith.constant 256 : i32
    %dma_start3A_29 = arith.constant 0 : i32
    %dma_start3A_30 = tpu.memref_slice %arg6[%dma_start3A_27, %dma_start3A_28, %dma_start3A_29] : memref<2x1664x16xf32, #tpu.memory_space<vmem>> -> memref<1x128x16xf32, #tpu.memory_space<vmem>>
    %dma_start3A_31 = tpu.memref_squeeze %dma_start3A_30 : memref<1x128x16xf32, #tpu.memory_space<vmem>> -> memref<128x16xf32, #tpu.memory_space<vmem>>
    %dma_start3A_32 = arith.constant 0 : i32
    %dma_start3A_33 = tpu.memref_slice %arg5[%dma_start3A_26, %dma_start3A_32] : memref<104x128xi32, #tpu.memory_space<vmem>> -> memref<1x128xi32, #tpu.memory_space<vmem>>
    %dma_start3A_34 = tpu.memref_squeeze %dma_start3A_33 : memref<1x128xi32, #tpu.memory_space<vmem>> -> memref<128xi32, #tpu.memory_space<vmem>>
    %dma_start3A_35 = arith.constant 0 : i32
    %dma_start3A_36 = arith.constant 0 : i32
    %dma_start3A_37 = tpu.memref_slice %arg2[%dma_start3A_35, %dma_start3A_36] : memref<2600000x16xf32, #tpu.memory_space<hbm>> -> memref<2600000x16xf32, #tpu.memory_space<hbm>>
    tpu.enqueue_indirect_dma source(%dma_start3A_37 : memref<2600000x16xf32, #tpu.memory_space<hbm>>) target(%dma_start3A_31 : memref<128x16xf32, #tpu.memory_space<vmem>>) offsets(%dma_start3A_34 : memref<128xi32, #tpu.memory_space<vmem>>) semaphore(%arg7 : memref<!tpu.dma_semaphore, #tpu.memory_space<semaphore_mem>>)
    %dma_start3A_38 = arith.constant 3 : i32
    %dma_start3A_39 = arith.constant 0 : i32
    %dma_start3A_40 = arith.constant 384 : i32
    %dma_start3A_41 = arith.constant 0 : i32
    %dma_start3A_42 = tpu.memref_slice %arg6[%dma_start3A_39, %dma_start3A_40, %dma_start3A_41] : memref<2x1664x16xf32, #tpu.memory_space<vmem>> -> memref<1x128x16xf32, #tpu.memory_space<vmem>>
    %dma_start3A_43 = tpu.memref_squeeze %dma_start3A_42 : memref<1x128x16xf32, #tpu.memory_space<vmem>> -> memref<128x16xf32, #tpu.memory_space<vmem>>
    %dma_start3A_44 = arith.constant 0 : i32
    %dma_start3A_45 = tpu.memref_slice %arg5[%dma_start3A_38, %dma_start3A_44] : memref<104x128xi32, #tpu.memory_space<vmem>> -> memref<1x128xi32, #tpu.memory_space<vmem>>
    %dma_start3A_46 = tpu.memref_squeeze %dma_start3A_45 : memref<1x128xi32, #tpu.memory_space<vmem>> -> memref<128xi32, #tpu.memory_space<vmem>>
    %dma_start3A_47 = arith.constant 0 : i32
    %dma_start3A_48 = arith.constant 0 : i32
    %dma_start3A_49 = tpu.memref_slice %arg2[%dma_start3A_47, %dma_start3A_48] : memref<2600000x16xf32, #tpu.memory_space<hbm>> -> memref<2600000x16xf32, #tpu.memory_space<hbm>>
    tpu.enqueue_indirect_dma source(%dma_start3A_49 : memref<2600000x16xf32, #tpu.memory_space<hbm>>) target(%dma_start3A_43 : memref<128x16xf32, #tpu.memory_space<vmem>>) offsets(%dma_start3A_46 : memref<128xi32, #tpu.memory_space<vmem>>) semaphore(%arg7 : memref<!tpu.dma_semaphore, #tpu.memory_space<semaphore_mem>>)
    %dma_start3A_50 = arith.constant 4 : i32
    %dma_start3A_51 = arith.constant 0 : i32
    %dma_start3A_52 = arith.constant 512 : i32
    %dma_start3A_53 = arith.constant 0 : i32
    %dma_start3A_54 = tpu.memref_slice %arg6[%dma_start3A_51, %dma_start3A_52, %dma_start3A_53] : memref<2x1664x16xf32, #tpu.memory_space<vmem>> -> memref<1x128x16xf32, #tpu.memory_space<vmem>>
    %dma_start3A_55 = tpu.memref_squeeze %dma_start3A_54 : memref<1x128x16xf32, #tpu.memory_space<vmem>> -> memref<128x16xf32, #tpu.memory_space<vmem>>
    %dma_start3A_56 = arith.constant 0 : i32
    %dma_start3A_57 = tpu.memref_slice %arg5[%dma_start3A_50, %dma_start3A_56] : memref<104x128xi32, #tpu.memory_space<vmem>> -> memref<1x128xi32, #tpu.memory_space<vmem>>
    %dma_start3A_58 = tpu.memref_squeeze %dma_start3A_57 : memref<1x128xi32, #tpu.memory_space<vmem>> -> memref<128xi32, #tpu.memory_space<vmem>>
    %dma_start3A_59 = arith.constant 0 : i32
    %dma_start3A_60 = arith.constant 0 : i32
    %dma_start3A_61 = tpu.memref_slice %arg2[%dma_start3A_59, %dma_start3A_60] : memref<2600000x16xf32, #tpu.memory_space<hbm>> -> memref<2600000x16xf32, #tpu.memory_space<hbm>>
    tpu.enqueue_indirect_dma source(%dma_start3A_61 : memref<2600000x16xf32, #tpu.memory_space<hbm>>) target(%dma_start3A_55 : memref<128x16xf32, #tpu.memory_space<vmem>>) offsets(%dma_start3A_58 : memref<128xi32, #tpu.memory_space<vmem>>) semaphore(%arg7 : memref<!tpu.dma_semaphore, #tpu.memory_space<semaphore_mem>>)
    %dma_start3A_62 = arith.constant 5 : i32
    %dma_start3A_63 = arith.constant 0 : i32
    %dma_start3A_64 = arith.constant 640 : i32
    %dma_start3A_65 = arith.constant 0 : i32
    %dma_start3A_66 = tpu.memref_slice %arg6[%dma_start3A_63, %dma_start3A_64, %dma_start3A_65] : memref<2x1664x16xf32, #tpu.memory_space<vmem>> -> memref<1x128x16xf32, #tpu.memory_space<vmem>>
    %dma_start3A_67 = tpu.memref_squeeze %dma_start3A_66 : memref<1x128x16xf32, #tpu.memory_space<vmem>> -> memref<128x16xf32, #tpu.memory_space<vmem>>
    %dma_start3A_68 = arith.constant 0 : i32
    %dma_start3A_69 = tpu.memref_slice %arg5[%dma_start3A_62, %dma_start3A_68] : memref<104x128xi32, #tpu.memory_space<vmem>> -> memref<1x128xi32, #tpu.memory_space<vmem>>
    %dma_start3A_70 = tpu.memref_squeeze %dma_start3A_69 : memref<1x128xi32, #tpu.memory_space<vmem>> -> memref<128xi32, #tpu.memory_space<vmem>>
    %dma_start3A_71 = arith.constant 0 : i32
    %dma_start3A_72 = arith.constant 0 : i32
    %dma_start3A_73 = tpu.memref_slice %arg2[%dma_start3A_71, %dma_start3A_72] : memref<2600000x16xf32, #tpu.memory_space<hbm>> -> memref<2600000x16xf32, #tpu.memory_space<hbm>>
    tpu.enqueue_indirect_dma source(%dma_start3A_73 : memref<2600000x16xf32, #tpu.memory_space<hbm>>) target(%dma_start3A_67 : memref<128x16xf32, #tpu.memory_space<vmem>>) offsets(%dma_start3A_70 : memref<128xi32, #tpu.memory_space<vmem>>) semaphore(%arg7 : memref<!tpu.dma_semaphore, #tpu.memory_space<semaphore_mem>>)
    %dma_start3A_74 = arith.constant 6 : i32
    %dma_start3A_75 = arith.constant 0 : i32
    %dma_start3A_76 = arith.constant 768 : i32
    %dma_start3A_77 = arith.constant 0 : i32
    %dma_start3A_78 = tpu.memref_slice %arg6[%dma_start3A_75, %dma_start3A_76, %dma_start3A_77] : memref<2x1664x16xf32, #tpu.memory_space<vmem>> -> memref<1x128x16xf32, #tpu.memory_space<vmem>>
    %dma_start3A_79 = tpu.memref_squeeze %dma_start3A_78 : memref<1x128x16xf32, #tpu.memory_space<vmem>> -> memref<128x16xf32, #tpu.memory_space<vmem>>
    %dma_start3A_80 = arith.constant 0 : i32
    %dma_start3A_81 = tpu.memref_slice %arg5[%dma_start3A_74, %dma_start3A_80] : memref<104x128xi32, #tpu.memory_space<vmem>> -> memref<1x128xi32, #tpu.memory_space<vmem>>
    %dma_start3A_82 = tpu.memref_squeeze %dma_start3A_81 : memref<1x128xi32, #tpu.memory_space<vmem>> -> memref<128xi32, #tpu.memory_space<vmem>>
    %dma_start3A_83 = arith.constant 0 : i32
    %dma_start3A_84 = arith.constant 0 : i32
    %dma_start3A_85 = tpu.memref_slice %arg2[%dma_start3A_83, %dma_start3A_84] : memref<2600000x16xf32, #tpu.memory_space<hbm>> -> memref<2600000x16xf32, #tpu.memory_space<hbm>>
    tpu.enqueue_indirect_dma source(%dma_start3A_85 : memref<2600000x16xf32, #tpu.memory_space<hbm>>) target(%dma_start3A_79 : memref<128x16xf32, #tpu.memory_space<vmem>>) offsets(%dma_start3A_82 : memref<128xi32, #tpu.memory_space<vmem>>) semaphore(%arg7 : memref<!tpu.dma_semaphore, #tpu.memory_space<semaphore_mem>>)
    %dma_start3A_86 = arith.constant 7 : i32
    %dma_start3A_87 = arith.constant 0 : i32
    %dma_start3A_88 = arith.constant 896 : i32
    %dma_start3A_89 = arith.constant 0 : i32
    %dma_start3A_90 = tpu.memref_slice %arg6[%dma_start3A_87, %dma_start3A_88, %dma_start3A_89] : memref<2x1664x16xf32, #tpu.memory_space<vmem>> -> memref<1x128x16xf32, #tpu.memory_space<vmem>>
    %dma_start3A_91 = tpu.memref_squeeze %dma_start3A_90 : memref<1x128x16xf32, #tpu.memory_space<vmem>> -> memref<128x16xf32, #tpu.memory_space<vmem>>
    %dma_start3A_92 = arith.constant 0 : i32
    %dma_start3A_93 = tpu.memref_slice %arg5[%dma_start3A_86, %dma_start3A_92] : memref<104x128xi32, #tpu.memory_space<vmem>> -> memref<1x128xi32, #tpu.memory_space<vmem>>
    %dma_start3A_94 = tpu.memref_squeeze %dma_start3A_93 : memref<1x128xi32, #tpu.memory_space<vmem>> -> memref<128xi32, #tpu.memory_space<vmem>>
    %dma_start3A_95 = arith.constant 0 : i32
    %dma_start3A_96 = arith.constant 0 : i32
    %dma_start3A_97 = tpu.memref_slice %arg2[%dma_start3A_95, %dma_start3A_96] : memref<2600000x16xf32, #tpu.memory_space<hbm>> -> memref<2600000x16xf32, #tpu.memory_space<hbm>>
    tpu.enqueue_indirect_dma source(%dma_start3A_97 : memref<2600000x16xf32, #tpu.memory_space<hbm>>) target(%dma_start3A_91 : memref<128x16xf32, #tpu.memory_space<vmem>>) offsets(%dma_start3A_94 : memref<128xi32, #tpu.memory_space<vmem>>) semaphore(%arg7 : memref<!tpu.dma_semaphore, #tpu.memory_space<semaphore_mem>>)
    %dma_start3A_98 = arith.constant 8 : i32
    %dma_start3A_99 = arith.constant 0 : i32
    %dma_start3A_100 = arith.constant 1024 : i32
    %dma_start3A_101 = arith.constant 0 : i32
    %dma_start3A_102 = tpu.memref_slice %arg6[%dma_start3A_99, %dma_start3A_100, %dma_start3A_101] : memref<2x1664x16xf32, #tpu.memory_space<vmem>> -> memref<1x128x16xf32, #tpu.memory_space<vmem>>
    %dma_start3A_103 = tpu.memref_squeeze %dma_start3A_102 : memref<1x128x16xf32, #tpu.memory_space<vmem>> -> memref<128x16xf32, #tpu.memory_space<vmem>>
    %dma_start3A_104 = arith.constant 0 : i32
    %dma_start3A_105 = tpu.memref_slice %arg5[%dma_start3A_98, %dma_start3A_104] : memref<104x128xi32, #tpu.memory_space<vmem>> -> memref<1x128xi32, #tpu.memory_space<vmem>>
    %dma_start3A_106 = tpu.memref_squeeze %dma_start3A_105 : memref<1x128xi32, #tpu.memory_space<vmem>> -> memref<128xi32, #tpu.memory_space<vmem>>
    %dma_start3A_107 = arith.constant 0 : i32
    %dma_start3A_108 = arith.constant 0 : i32
    %dma_start3A_109 = tpu.memref_slice %arg2[%dma_start3A_107, %dma_start3A_108] : memref<2600000x16xf32, #tpu.memory_space<hbm>> -> memref<2600000x16xf32, #tpu.memory_space<hbm>>
    tpu.enqueue_indirect_dma source(%dma_start3A_109 : memref<2600000x16xf32, #tpu.memory_space<hbm>>) target(%dma_start3A_103 : memref<128x16xf32, #tpu.memory_space<vmem>>) offsets(%dma_start3A_106 : memref<128xi32, #tpu.memory_space<vmem>>) semaphore(%arg7 : memref<!tpu.dma_semaphore, #tpu.memory_space<semaphore_mem>>)
    %dma_start3A_110 = arith.constant 9 : i32
    %dma_start3A_111 = arith.constant 0 : i32
    %dma_start3A_112 = arith.constant 1152 : i32
    %dma_start3A_113 = arith.constant 0 : i32
    %dma_start3A_114 = tpu.memref_slice %arg6[%dma_start3A_111, %dma_start3A_112, %dma_start3A_113] : memref<2x1664x16xf32, #tpu.memory_space<vmem>> -> memref<1x128x16xf32, #tpu.memory_space<vmem>>
    %dma_start3A_115 = tpu.memref_squeeze %dma_start3A_114 : memref<1x128x16xf32, #tpu.memory_space<vmem>> -> memref<128x16xf32, #tpu.memory_space<vmem>>
    %dma_start3A_116 = arith.constant 0 : i32
    %dma_start3A_117 = tpu.memref_slice %arg5[%dma_start3A_110, %dma_start3A_116] : memref<104x128xi32, #tpu.memory_space<vmem>> -> memref<1x128xi32, #tpu.memory_space<vmem>>
    %dma_start3A_118 = tpu.memref_squeeze %dma_start3A_117 : memref<1x128xi32, #tpu.memory_space<vmem>> -> memref<128xi32, #tpu.memory_space<vmem>>
    %dma_start3A_119 = arith.constant 0 : i32
    %dma_start3A_120 = arith.constant 0 : i32
    %dma_start3A_121 = tpu.memref_slice %arg2[%dma_start3A_119, %dma_start3A_120] : memref<2600000x16xf32, #tpu.memory_space<hbm>> -> memref<2600000x16xf32, #tpu.memory_space<hbm>>
    tpu.enqueue_indirect_dma source(%dma_start3A_121 : memref<2600000x16xf32, #tpu.memory_space<hbm>>) target(%dma_start3A_115 : memref<128x16xf32, #tpu.memory_space<vmem>>) offsets(%dma_start3A_118 : memref<128xi32, #tpu.memory_space<vmem>>) semaphore(%arg7 : memref<!tpu.dma_semaphore, #tpu.memory_space<semaphore_mem>>)
    %dma_start3A_122 = arith.constant 10 : i32
    %dma_start3A_123 = arith.constant 0 : i32
    %dma_start3A_124 = arith.constant 1280 : i32
    %dma_start3A_125 = arith.constant 0 : i32
    %dma_start3A_126 = tpu.memref_slice %arg6[%dma_start3A_123, %dma_start3A_124, %dma_start3A_125] : memref<2x1664x16xf32, #tpu.memory_space<vmem>> -> memref<1x128x16xf32, #tpu.memory_space<vmem>>
    %dma_start3A_127 = tpu.memref_squeeze %dma_start3A_126 : memref<1x128x16xf32, #tpu.memory_space<vmem>> -> memref<128x16xf32, #tpu.memory_space<vmem>>
    %dma_start3A_128 = arith.constant 0 : i32
    %dma_start3A_129 = tpu.memref_slice %arg5[%dma_start3A_122, %dma_start3A_128] : memref<104x128xi32, #tpu.memory_space<vmem>> -> memref<1x128xi32, #tpu.memory_space<vmem>>
    %dma_start3A_130 = tpu.memref_squeeze %dma_start3A_129 : memref<1x128xi32, #tpu.memory_space<vmem>> -> memref<128xi32, #tpu.memory_space<vmem>>
    %dma_start3A_131 = arith.constant 0 : i32
    %dma_start3A_132 = arith.constant 0 : i32
    %dma_start3A_133 = tpu.memref_slice %arg2[%dma_start3A_131, %dma_start3A_132] : memref<2600000x16xf32, #tpu.memory_space<hbm>> -> memref<2600000x16xf32, #tpu.memory_space<hbm>>
    tpu.enqueue_indirect_dma source(%dma_start3A_133 : memref<2600000x16xf32, #tpu.memory_space<hbm>>) target(%dma_start3A_127 : memref<128x16xf32, #tpu.memory_space<vmem>>) offsets(%dma_start3A_130 : memref<128xi32, #tpu.memory_space<vmem>>) semaphore(%arg7 : memref<!tpu.dma_semaphore, #tpu.memory_space<semaphore_mem>>)
    %dma_start3A_134 = arith.constant 11 : i32
    %dma_start3A_135 = arith.constant 0 : i32
    %dma_start3A_136 = arith.constant 1408 : i32
    %dma_start3A_137 = arith.constant 0 : i32
    %dma_start3A_138 = tpu.memref_slice %arg6[%dma_start3A_135, %dma_start3A_136, %dma_start3A_137] : memref<2x1664x16xf32, #tpu.memory_space<vmem>> -> memref<1x128x16xf32, #tpu.memory_space<vmem>>
    %dma_start3A_139 = tpu.memref_squeeze %dma_start3A_138 : memref<1x128x16xf32, #tpu.memory_space<vmem>> -> memref<128x16xf32, #tpu.memory_space<vmem>>
    %dma_start3A_140 = arith.constant 0 : i32
    %dma_start3A_141 = tpu.memref_slice %arg5[%dma_start3A_134, %dma_start3A_140] : memref<104x128xi32, #tpu.memory_space<vmem>> -> memref<1x128xi32, #tpu.memory_space<vmem>>
    %dma_start3A_142 = tpu.memref_squeeze %dma_start3A_141 : memref<1x128xi32, #tpu.memory_space<vmem>> -> memref<128xi32, #tpu.memory_space<vmem>>
    %dma_start3A_143 = arith.constant 0 : i32
    %dma_start3A_144 = arith.constant 0 : i32
    %dma_start3A_145 = tpu.memref_slice %arg2[%dma_start3A_143, %dma_start3A_144] : memref<2600000x16xf32, #tpu.memory_space<hbm>> -> memref<2600000x16xf32, #tpu.memory_space<hbm>>
    tpu.enqueue_indirect_dma source(%dma_start3A_145 : memref<2600000x16xf32, #tpu.memory_space<hbm>>) target(%dma_start3A_139 : memref<128x16xf32, #tpu.memory_space<vmem>>) offsets(%dma_start3A_142 : memref<128xi32, #tpu.memory_space<vmem>>) semaphore(%arg7 : memref<!tpu.dma_semaphore, #tpu.memory_space<semaphore_mem>>)
    %dma_start3A_146 = arith.constant 12 : i32
    %dma_start3A_147 = arith.constant 0 : i32
    %dma_start3A_148 = arith.constant 1536 : i32
    %dma_start3A_149 = arith.constant 0 : i32
    %dma_start3A_150 = tpu.memref_slice %arg6[%dma_start3A_147, %dma_start3A_148, %dma_start3A_149] : memref<2x1664x16xf32, #tpu.memory_space<vmem>> -> memref<1x128x16xf32, #tpu.memory_space<vmem>>
    %dma_start3A_151 = tpu.memref_squeeze %dma_start3A_150 : memref<1x128x16xf32, #tpu.memory_space<vmem>> -> memref<128x16xf32, #tpu.memory_space<vmem>>
    %dma_start3A_152 = arith.constant 0 : i32
    %dma_start3A_153 = tpu.memref_slice %arg5[%dma_start3A_146, %dma_start3A_152] : memref<104x128xi32, #tpu.memory_space<vmem>> -> memref<1x128xi32, #tpu.memory_space<vmem>>
    %dma_start3A_154 = tpu.memref_squeeze %dma_start3A_153 : memref<1x128xi32, #tpu.memory_space<vmem>> -> memref<128xi32, #tpu.memory_space<vmem>>
    %dma_start3A_155 = arith.constant 0 : i32
    %dma_start3A_156 = arith.constant 0 : i32
    %dma_start3A_157 = tpu.memref_slice %arg2[%dma_start3A_155, %dma_start3A_156] : memref<2600000x16xf32, #tpu.memory_space<hbm>> -> memref<2600000x16xf32, #tpu.memory_space<hbm>>
    tpu.enqueue_indirect_dma source(%dma_start3A_157 : memref<2600000x16xf32, #tpu.memory_space<hbm>>) target(%dma_start3A_151 : memref<128x16xf32, #tpu.memory_space<vmem>>) offsets(%dma_start3A_154 : memref<128xi32, #tpu.memory_space<vmem>>) semaphore(%arg7 : memref<!tpu.dma_semaphore, #tpu.memory_space<semaphore_mem>>)
    %scan3A = arith.constant 0 : i32
    %scan3A_158 = arith.constant 1 : i32
    %scan3A_159 = arith.constant 7 : i32
    %scan3A_160 = arith.addi %scan3A_158, %scan3A_159 : i32
    %scan3A_161 = arith.constant 1 : i32
    scf.for %scan3A_181 = %scan3A_158 to %scan3A_160 step %scan3A_161  : i32 {
      %jit3A = arith.constant 2 : i32
      %eq3A = arith.constant 0 : i32
      %eq3A_182 = arith.cmpi eq, %jit3A, %eq3A : i32
      %jit3A_183 = arith.constant 1 : i32
      %select_n3A = arith.select %eq3A_182, %jit3A_183, %jit3A : i32
      %rem3A = arith.remsi %scan3A_181, %select_n3A : i32
      %ne3A = arith.constant 0 : i32
      %ne3A_184 = arith.cmpi ne, %rem3A, %ne3A : i32
      %lt3A = arith.constant 0 : i32
      %lt3A_185 = arith.cmpi slt, %rem3A, %lt3A : i32
      %lt3A_186 = arith.constant 0 : i32
      %lt3A_187 = arith.cmpi slt, %select_n3A, %lt3A_186 : i32
      %ne3A_188 = arith.xori %lt3A_185, %lt3A_187 : i1
      %and3A = arith.andi %ne3A_188, %ne3A_184 : i1
      %add3A_189 = arith.addi %rem3A, %select_n3A : i32
      %select_n3A_190 = arith.select %and3A, %add3A_189, %rem3A : i32
      %mul3A_191 = arith.constant 13 : i32
      %mul3A_192 = arith.muli %scan3A_181, %mul3A_191 : i32
      %add3A_193 = arith.constant 0 : i32
      %add3A_194 = arith.addi %mul3A_192, %add3A_193 : i32
      %dma_start3A_195 = arith.constant 0 : i32
      %dma_start3A_196 = arith.constant 0 : i32
      %dma_start3A_197 = tpu.memref_slice %arg6[%select_n3A_190, %dma_start3A_195, %dma_start3A_196] : memref<2x1664x16xf32, #tpu.memory_space<vmem>> -> memref<1x128x16xf32, #tpu.memory_space<vmem>>
      %dma_start3A_198 = tpu.memref_squeeze %dma_start3A_197 : memref<1x128x16xf32, #tpu.memory_space<vmem>> -> memref<128x16xf32, #tpu.memory_space<vmem>>
      %dma_start3A_199 = arith.constant 0 : i32
      %dma_start3A_200 = tpu.memref_slice %arg5[%add3A_194, %dma_start3A_199] : memref<104x128xi32, #tpu.memory_space<vmem>> -> memref<1x128xi32, #tpu.memory_space<vmem>>
      %dma_start3A_201 = tpu.memref_squeeze %dma_start3A_200 : memref<1x128xi32, #tpu.memory_space<vmem>> -> memref<128xi32, #tpu.memory_space<vmem>>
      %dma_start3A_202 = arith.constant 0 : i32
      %dma_start3A_203 = arith.constant 0 : i32
      %dma_start3A_204 = tpu.memref_slice %arg2[%dma_start3A_202, %dma_start3A_203] : memref<2600000x16xf32, #tpu.memory_space<hbm>> -> memref<2600000x16xf32, #tpu.memory_space<hbm>>
      tpu.enqueue_indirect_dma source(%dma_start3A_204 : memref<2600000x16xf32, #tpu.memory_space<hbm>>) target(%dma_start3A_198 : memref<128x16xf32, #tpu.memory_space<vmem>>) offsets(%dma_start3A_201 : memref<128xi32, #tpu.memory_space<vmem>>) semaphore(%arg7 : memref<!tpu.dma_semaphore, #tpu.memory_space<semaphore_mem>>)
      %mul3A_205 = arith.constant 13 : i32
      %mul3A_206 = arith.muli %scan3A_181, %mul3A_205 : i32
      %add3A_207 = arith.constant 1 : i32
      %add3A_208 = arith.addi %mul3A_206, %add3A_207 : i32
      %dma_start3A_209 = arith.constant 128 : i32
      %dma_start3A_210 = arith.constant 0 : i32
      %dma_start3A_211 = tpu.memref_slice %arg6[%select_n3A_190, %dma_start3A_209, %dma_start3A_210] : memref<2x1664x16xf32, #tpu.memory_space<vmem>> -> memref<1x128x16xf32, #tpu.memory_space<vmem>>
      %dma_start3A_212 = tpu.memref_squeeze %dma_start3A_211 : memref<1x128x16xf32, #tpu.memory_space<vmem>> -> memref<128x16xf32, #tpu.memory_space<vmem>>
      %dma_start3A_213 = arith.constant 0 : i32
      %dma_start3A_214 = tpu.memref_slice %arg5[%add3A_208, %dma_start3A_213] : memref<104x128xi32, #tpu.memory_space<vmem>> -> memref<1x128xi32, #tpu.memory_space<vmem>>
      %dma_start3A_215 = tpu.memref_squeeze %dma_start3A_214 : memref<1x128xi32, #tpu.memory_space<vmem>> -> memref<128xi32, #tpu.memory_space<vmem>>
      %dma_start3A_216 = arith.constant 0 : i32
      %dma_start3A_217 = arith.constant 0 : i32
      %dma_start3A_218 = tpu.memref_slice %arg2[%dma_start3A_216, %dma_start3A_217] : memref<2600000x16xf32, #tpu.memory_space<hbm>> -> memref<2600000x16xf32, #tpu.memory_space<hbm>>
      tpu.enqueue_indirect_dma source(%dma_start3A_218 : memref<2600000x16xf32, #tpu.memory_space<hbm>>) target(%dma_start3A_212 : memref<128x16xf32, #tpu.memory_space<vmem>>) offsets(%dma_start3A_215 : memref<128xi32, #tpu.memory_space<vmem>>) semaphore(%arg7 : memref<!tpu.dma_semaphore, #tpu.memory_space<semaphore_mem>>)
      %mul3A_219 = arith.constant 13 : i32
      %mul3A_220 = arith.muli %scan3A_181, %mul3A_219 : i32
      %add3A_221 = arith.constant 2 : i32
      %add3A_222 = arith.addi %mul3A_220, %add3A_221 : i32
      %dma_start3A_223 = arith.constant 256 : i32
      %dma_start3A_224 = arith.constant 0 : i32
      %dma_start3A_225 = tpu.memref_slice %arg6[%select_n3A_190, %dma_start3A_223, %dma_start3A_224] : memref<2x1664x16xf32, #tpu.memory_space<vmem>> -> memref<1x128x16xf32, #tpu.memory_space<vmem>>
      %dma_start3A_226 = tpu.memref_squeeze %dma_start3A_225 : memref<1x128x16xf32, #tpu.memory_space<vmem>> -> memref<128x16xf32, #tpu.memory_space<vmem>>
      %dma_start3A_227 = arith.constant 0 : i32
      %dma_start3A_228 = tpu.memref_slice %arg5[%add3A_222, %dma_start3A_227] : memref<104x128xi32, #tpu.memory_space<vmem>> -> memref<1x128xi32, #tpu.memory_space<vmem>>
      %dma_start3A_229 = tpu.memref_squeeze %dma_start3A_228 : memref<1x128xi32, #tpu.memory_space<vmem>> -> memref<128xi32, #tpu.memory_space<vmem>>
      %dma_start3A_230 = arith.constant 0 : i32
      %dma_start3A_231 = arith.constant 0 : i32
      %dma_start3A_232 = tpu.memref_slice %arg2[%dma_start3A_230, %dma_start3A_231] : memref<2600000x16xf32, #tpu.memory_space<hbm>> -> memref<2600000x16xf32, #tpu.memory_space<hbm>>
      tpu.enqueue_indirect_dma source(%dma_start3A_232 : memref<2600000x16xf32, #tpu.memory_space<hbm>>) target(%dma_start3A_226 : memref<128x16xf32, #tpu.memory_space<vmem>>) offsets(%dma_start3A_229 : memref<128xi32, #tpu.memory_space<vmem>>) semaphore(%arg7 : memref<!tpu.dma_semaphore, #tpu.memory_space<semaphore_mem>>)
      %mul3A_233 = arith.constant 13 : i32
      %mul3A_234 = arith.muli %scan3A_181, %mul3A_233 : i32
      %add3A_235 = arith.constant 3 : i32
      %add3A_236 = arith.addi %mul3A_234, %add3A_235 : i32
      %dma_start3A_237 = arith.constant 384 : i32
      %dma_start3A_238 = arith.constant 0 : i32
      %dma_start3A_239 = tpu.memref_slice %arg6[%select_n3A_190, %dma_start3A_237, %dma_start3A_238] : memref<2x1664x16xf32, #tpu.memory_space<vmem>> -> memref<1x128x16xf32, #tpu.memory_space<vmem>>
      %dma_start3A_240 = tpu.memref_squeeze %dma_start3A_239 : memref<1x128x16xf32, #tpu.memory_space<vmem>> -> memref<128x16xf32, #tpu.memory_space<vmem>>
      %dma_start3A_241 = arith.constant 0 : i32
      %dma_start3A_242 = tpu.memref_slice %arg5[%add3A_236, %dma_start3A_241] : memref<104x128xi32, #tpu.memory_space<vmem>> -> memref<1x128xi32, #tpu.memory_space<vmem>>
      %dma_start3A_243 = tpu.memref_squeeze %dma_start3A_242 : memref<1x128xi32, #tpu.memory_space<vmem>> -> memref<128xi32, #tpu.memory_space<vmem>>
      %dma_start3A_244 = arith.constant 0 : i32
      %dma_start3A_245 = arith.constant 0 : i32
      %dma_start3A_246 = tpu.memref_slice %arg2[%dma_start3A_244, %dma_start3A_245] : memref<2600000x16xf32, #tpu.memory_space<hbm>> -> memref<2600000x16xf32, #tpu.memory_space<hbm>>
      tpu.enqueue_indirect_dma source(%dma_start3A_246 : memref<2600000x16xf32, #tpu.memory_space<hbm>>) target(%dma_start3A_240 : memref<128x16xf32, #tpu.memory_space<vmem>>) offsets(%dma_start3A_243 : memref<128xi32, #tpu.memory_space<vmem>>) semaphore(%arg7 : memref<!tpu.dma_semaphore, #tpu.memory_space<semaphore_mem>>)
      %mul3A_247 = arith.constant 13 : i32
      %mul3A_248 = arith.muli %scan3A_181, %mul3A_247 : i32
      %add3A_249 = arith.constant 4 : i32
      %add3A_250 = arith.addi %mul3A_248, %add3A_249 : i32
      %dma_start3A_251 = arith.constant 512 : i32
      %dma_start3A_252 = arith.constant 0 : i32
      %dma_start3A_253 = tpu.memref_slice %arg6[%select_n3A_190, %dma_start3A_251, %dma_start3A_252] : memref<2x1664x16xf32, #tpu.memory_space<vmem>> -> memref<1x128x16xf32, #tpu.memory_space<vmem>>
      %dma_start3A_254 = tpu.memref_squeeze %dma_start3A_253 : memref<1x128x16xf32, #tpu.memory_space<vmem>> -> memref<128x16xf32, #tpu.memory_space<vmem>>
      %dma_start3A_255 = arith.constant 0 : i32
      %dma_start3A_256 = tpu.memref_slice %arg5[%add3A_250, %dma_start3A_255] : memref<104x128xi32, #tpu.memory_space<vmem>> -> memref<1x128xi32, #tpu.memory_space<vmem>>
      %dma_start3A_257 = tpu.memref_squeeze %dma_start3A_256 : memref<1x128xi32, #tpu.memory_space<vmem>> -> memref<128xi32, #tpu.memory_space<vmem>>
      %dma_start3A_258 = arith.constant 0 : i32
      %dma_start3A_259 = arith.constant 0 : i32
      %dma_start3A_260 = tpu.memref_slice %arg2[%dma_start3A_258, %dma_start3A_259] : memref<2600000x16xf32, #tpu.memory_space<hbm>> -> memref<2600000x16xf32, #tpu.memory_space<hbm>>
      tpu.enqueue_indirect_dma source(%dma_start3A_260 : memref<2600000x16xf32, #tpu.memory_space<hbm>>) target(%dma_start3A_254 : memref<128x16xf32, #tpu.memory_space<vmem>>) offsets(%dma_start3A_257 : memref<128xi32, #tpu.memory_space<vmem>>) semaphore(%arg7 : memref<!tpu.dma_semaphore, #tpu.memory_space<semaphore_mem>>)
      %mul3A_261 = arith.constant 13 : i32
      %mul3A_262 = arith.muli %scan3A_181, %mul3A_261 : i32
      %add3A_263 = arith.constant 5 : i32
      %add3A_264 = arith.addi %mul3A_262, %add3A_263 : i32
      %dma_start3A_265 = arith.constant 640 : i32
      %dma_start3A_266 = arith.constant 0 : i32
      %dma_start3A_267 = tpu.memref_slice %arg6[%select_n3A_190, %dma_start3A_265, %dma_start3A_266] : memref<2x1664x16xf32, #tpu.memory_space<vmem>> -> memref<1x128x16xf32, #tpu.memory_space<vmem>>
      %dma_start3A_268 = tpu.memref_squeeze %dma_start3A_267 : memref<1x128x16xf32, #tpu.memory_space<vmem>> -> memref<128x16xf32, #tpu.memory_space<vmem>>
      %dma_start3A_269 = arith.constant 0 : i32
      %dma_start3A_270 = tpu.memref_slice %arg5[%add3A_264, %dma_start3A_269] : memref<104x128xi32, #tpu.memory_space<vmem>> -> memref<1x128xi32, #tpu.memory_space<vmem>>
      %dma_start3A_271 = tpu.memref_squeeze %dma_start3A_270 : memref<1x128xi32, #tpu.memory_space<vmem>> -> memref<128xi32, #tpu.memory_space<vmem>>
      %dma_start3A_272 = arith.constant 0 : i32
      %dma_start3A_273 = arith.constant 0 : i32
      %dma_start3A_274 = tpu.memref_slice %arg2[%dma_start3A_272, %dma_start3A_273] : memref<2600000x16xf32, #tpu.memory_space<hbm>> -> memref<2600000x16xf32, #tpu.memory_space<hbm>>
      tpu.enqueue_indirect_dma source(%dma_start3A_274 : memref<2600000x16xf32, #tpu.memory_space<hbm>>) target(%dma_start3A_268 : memref<128x16xf32, #tpu.memory_space<vmem>>) offsets(%dma_start3A_271 : memref<128xi32, #tpu.memory_space<vmem>>) semaphore(%arg7 : memref<!tpu.dma_semaphore, #tpu.memory_space<semaphore_mem>>)
      %mul3A_275 = arith.constant 13 : i32
      %mul3A_276 = arith.muli %scan3A_181, %mul3A_275 : i32
      %add3A_277 = arith.constant 6 : i32
      %add3A_278 = arith.addi %mul3A_276, %add3A_277 : i32
      %dma_start3A_279 = arith.constant 768 : i32
      %dma_start3A_280 = arith.constant 0 : i32
      %dma_start3A_281 = tpu.memref_slice %arg6[%select_n3A_190, %dma_start3A_279, %dma_start3A_280] : memref<2x1664x16xf32, #tpu.memory_space<vmem>> -> memref<1x128x16xf32, #tpu.memory_space<vmem>>
      %dma_start3A_282 = tpu.memref_squeeze %dma_start3A_281 : memref<1x128x16xf32, #tpu.memory_space<vmem>> -> memref<128x16xf32, #tpu.memory_space<vmem>>
      %dma_start3A_283 = arith.constant 0 : i32
      %dma_start3A_284 = tpu.memref_slice %arg5[%add3A_278, %dma_start3A_283] : memref<104x128xi32, #tpu.memory_space<vmem>> -> memref<1x128xi32, #tpu.memory_space<vmem>>
      %dma_start3A_285 = tpu.memref_squeeze %dma_start3A_284 : memref<1x128xi32, #tpu.memory_space<vmem>> -> memref<128xi32, #tpu.memory_space<vmem>>
      %dma_start3A_286 = arith.constant 0 : i32
      %dma_start3A_287 = arith.constant 0 : i32
      %dma_start3A_288 = tpu.memref_slice %arg2[%dma_start3A_286, %dma_start3A_287] : memref<2600000x16xf32, #tpu.memory_space<hbm>> -> memref<2600000x16xf32, #tpu.memory_space<hbm>>
      tpu.enqueue_indirect_dma source(%dma_start3A_288 : memref<2600000x16xf32, #tpu.memory_space<hbm>>) target(%dma_start3A_282 : memref<128x16xf32, #tpu.memory_space<vmem>>) offsets(%dma_start3A_285 : memref<128xi32, #tpu.memory_space<vmem>>) semaphore(%arg7 : memref<!tpu.dma_semaphore, #tpu.memory_space<semaphore_mem>>)
      %mul3A_289 = arith.constant 13 : i32
      %mul3A_290 = arith.muli %scan3A_181, %mul3A_289 : i32
      %add3A_291 = arith.constant 7 : i32
      %add3A_292 = arith.addi %mul3A_290, %add3A_291 : i32
      %dma_start3A_293 = arith.constant 896 : i32
      %dma_start3A_294 = arith.constant 0 : i32
      %dma_start3A_295 = tpu.memref_slice %arg6[%select_n3A_190, %dma_start3A_293, %dma_start3A_294] : memref<2x1664x16xf32, #tpu.memory_space<vmem>> -> memref<1x128x16xf32, #tpu.memory_space<vmem>>
      %dma_start3A_296 = tpu.memref_squeeze %dma_start3A_295 : memref<1x128x16xf32, #tpu.memory_space<vmem>> -> memref<128x16xf32, #tpu.memory_space<vmem>>
      %dma_start3A_297 = arith.constant 0 : i32
      %dma_start3A_298 = tpu.memref_slice %arg5[%add3A_292, %dma_start3A_297] : memref<104x128xi32, #tpu.memory_space<vmem>> -> memref<1x128xi32, #tpu.memory_space<vmem>>
      %dma_start3A_299 = tpu.memref_squeeze %dma_start3A_298 : memref<1x128xi32, #tpu.memory_space<vmem>> -> memref<128xi32, #tpu.memory_space<vmem>>
      %dma_start3A_300 = arith.constant 0 : i32
      %dma_start3A_301 = arith.constant 0 : i32
      %dma_start3A_302 = tpu.memref_slice %arg2[%dma_start3A_300, %dma_start3A_301] : memref<2600000x16xf32, #tpu.memory_space<hbm>> -> memref<2600000x16xf32, #tpu.memory_space<hbm>>
      tpu.enqueue_indirect_dma source(%dma_start3A_302 : memref<2600000x16xf32, #tpu.memory_space<hbm>>) target(%dma_start3A_296 : memref<128x16xf32, #tpu.memory_space<vmem>>) offsets(%dma_start3A_299 : memref<128xi32, #tpu.memory_space<vmem>>) semaphore(%arg7 : memref<!tpu.dma_semaphore, #tpu.memory_space<semaphore_mem>>)
      %mul3A_303 = arith.constant 13 : i32
      %mul3A_304 = arith.muli %scan3A_181, %mul3A_303 : i32
      %add3A_305 = arith.constant 8 : i32
      %add3A_306 = arith.addi %mul3A_304, %add3A_305 : i32
      %dma_start3A_307 = arith.constant 1024 : i32
      %dma_start3A_308 = arith.constant 0 : i32
      %dma_start3A_309 = tpu.memref_slice %arg6[%select_n3A_190, %dma_start3A_307, %dma_start3A_308] : memref<2x1664x16xf32, #tpu.memory_space<vmem>> -> memref<1x128x16xf32, #tpu.memory_space<vmem>>
      %dma_start3A_310 = tpu.memref_squeeze %dma_start3A_309 : memref<1x128x16xf32, #tpu.memory_space<vmem>> -> memref<128x16xf32, #tpu.memory_space<vmem>>
      %dma_start3A_311 = arith.constant 0 : i32
      %dma_start3A_312 = tpu.memref_slice %arg5[%add3A_306, %dma_start3A_311] : memref<104x128xi32, #tpu.memory_space<vmem>> -> memref<1x128xi32, #tpu.memory_space<vmem>>
      %dma_start3A_313 = tpu.memref_squeeze %dma_start3A_312 : memref<1x128xi32, #tpu.memory_space<vmem>> -> memref<128xi32, #tpu.memory_space<vmem>>
      %dma_start3A_314 = arith.constant 0 : i32
      %dma_start3A_315 = arith.constant 0 : i32
      %dma_start3A_316 = tpu.memref_slice %arg2[%dma_start3A_314, %dma_start3A_315] : memref<2600000x16xf32, #tpu.memory_space<hbm>> -> memref<2600000x16xf32, #tpu.memory_space<hbm>>
      tpu.enqueue_indirect_dma source(%dma_start3A_316 : memref<2600000x16xf32, #tpu.memory_space<hbm>>) target(%dma_start3A_310 : memref<128x16xf32, #tpu.memory_space<vmem>>) offsets(%dma_start3A_313 : memref<128xi32, #tpu.memory_space<vmem>>) semaphore(%arg7 : memref<!tpu.dma_semaphore, #tpu.memory_space<semaphore_mem>>)
      %mul3A_317 = arith.constant 13 : i32
      %mul3A_318 = arith.muli %scan3A_181, %mul3A_317 : i32
      %add3A_319 = arith.constant 9 : i32
      %add3A_320 = arith.addi %mul3A_318, %add3A_319 : i32
      %dma_start3A_321 = arith.constant 1152 : i32
      %dma_start3A_322 = arith.constant 0 : i32
      %dma_start3A_323 = tpu.memref_slice %arg6[%select_n3A_190, %dma_start3A_321, %dma_start3A_322] : memref<2x1664x16xf32, #tpu.memory_space<vmem>> -> memref<1x128x16xf32, #tpu.memory_space<vmem>>
      %dma_start3A_324 = tpu.memref_squeeze %dma_start3A_323 : memref<1x128x16xf32, #tpu.memory_space<vmem>> -> memref<128x16xf32, #tpu.memory_space<vmem>>
      %dma_start3A_325 = arith.constant 0 : i32
      %dma_start3A_326 = tpu.memref_slice %arg5[%add3A_320, %dma_start3A_325] : memref<104x128xi32, #tpu.memory_space<vmem>> -> memref<1x128xi32, #tpu.memory_space<vmem>>
      %dma_start3A_327 = tpu.memref_squeeze %dma_start3A_326 : memref<1x128xi32, #tpu.memory_space<vmem>> -> memref<128xi32, #tpu.memory_space<vmem>>
      %dma_start3A_328 = arith.constant 0 : i32
      %dma_start3A_329 = arith.constant 0 : i32
      %dma_start3A_330 = tpu.memref_slice %arg2[%dma_start3A_328, %dma_start3A_329] : memref<2600000x16xf32, #tpu.memory_space<hbm>> -> memref<2600000x16xf32, #tpu.memory_space<hbm>>
      tpu.enqueue_indirect_dma source(%dma_start3A_330 : memref<2600000x16xf32, #tpu.memory_space<hbm>>) target(%dma_start3A_324 : memref<128x16xf32, #tpu.memory_space<vmem>>) offsets(%dma_start3A_327 : memref<128xi32, #tpu.memory_space<vmem>>) semaphore(%arg7 : memref<!tpu.dma_semaphore, #tpu.memory_space<semaphore_mem>>)
      %mul3A_331 = arith.constant 13 : i32
      %mul3A_332 = arith.muli %scan3A_181, %mul3A_331 : i32
      %add3A_333 = arith.constant 10 : i32
      %add3A_334 = arith.addi %mul3A_332, %add3A_333 : i32
      %dma_start3A_335 = arith.constant 1280 : i32
      %dma_start3A_336 = arith.constant 0 : i32
      %dma_start3A_337 = tpu.memref_slice %arg6[%select_n3A_190, %dma_start3A_335, %dma_start3A_336] : memref<2x1664x16xf32, #tpu.memory_space<vmem>> -> memref<1x128x16xf32, #tpu.memory_space<vmem>>
      %dma_start3A_338 = tpu.memref_squeeze %dma_start3A_337 : memref<1x128x16xf32, #tpu.memory_space<vmem>> -> memref<128x16xf32, #tpu.memory_space<vmem>>
      %dma_start3A_339 = arith.constant 0 : i32
      %dma_start3A_340 = tpu.memref_slice %arg5[%add3A_334, %dma_start3A_339] : memref<104x128xi32, #tpu.memory_space<vmem>> -> memref<1x128xi32, #tpu.memory_space<vmem>>
      %dma_start3A_341 = tpu.memref_squeeze %dma_start3A_340 : memref<1x128xi32, #tpu.memory_space<vmem>> -> memref<128xi32, #tpu.memory_space<vmem>>
      %dma_start3A_342 = arith.constant 0 : i32
      %dma_start3A_343 = arith.constant 0 : i32
      %dma_start3A_344 = tpu.memref_slice %arg2[%dma_start3A_342, %dma_start3A_343] : memref<2600000x16xf32, #tpu.memory_space<hbm>> -> memref<2600000x16xf32, #tpu.memory_space<hbm>>
      tpu.enqueue_indirect_dma source(%dma_start3A_344 : memref<2600000x16xf32, #tpu.memory_space<hbm>>) target(%dma_start3A_338 : memref<128x16xf32, #tpu.memory_space<vmem>>) offsets(%dma_start3A_341 : memref<128xi32, #tpu.memory_space<vmem>>) semaphore(%arg7 : memref<!tpu.dma_semaphore, #tpu.memory_space<semaphore_mem>>)
      %mul3A_345 = arith.constant 13 : i32
      %mul3A_346 = arith.muli %scan3A_181, %mul3A_345 : i32
      %add3A_347 = arith.constant 11 : i32
      %add3A_348 = arith.addi %mul3A_346, %add3A_347 : i32
      %dma_start3A_349 = arith.constant 1408 : i32
      %dma_start3A_350 = arith.constant 0 : i32
      %dma_start3A_351 = tpu.memref_slice %arg6[%select_n3A_190, %dma_start3A_349, %dma_start3A_350] : memref<2x1664x16xf32, #tpu.memory_space<vmem>> -> memref<1x128x16xf32, #tpu.memory_space<vmem>>
      %dma_start3A_352 = tpu.memref_squeeze %dma_start3A_351 : memref<1x128x16xf32, #tpu.memory_space<vmem>> -> memref<128x16xf32, #tpu.memory_space<vmem>>
      %dma_start3A_353 = arith.constant 0 : i32
      %dma_start3A_354 = tpu.memref_slice %arg5[%add3A_348, %dma_start3A_353] : memref<104x128xi32, #tpu.memory_space<vmem>> -> memref<1x128xi32, #tpu.memory_space<vmem>>
      %dma_start3A_355 = tpu.memref_squeeze %dma_start3A_354 : memref<1x128xi32, #tpu.memory_space<vmem>> -> memref<128xi32, #tpu.memory_space<vmem>>
      %dma_start3A_356 = arith.constant 0 : i32
      %dma_start3A_357 = arith.constant 0 : i32
      %dma_start3A_358 = tpu.memref_slice %arg2[%dma_start3A_356, %dma_start3A_357] : memref<2600000x16xf32, #tpu.memory_space<hbm>> -> memref<2600000x16xf32, #tpu.memory_space<hbm>>
      tpu.enqueue_indirect_dma source(%dma_start3A_358 : memref<2600000x16xf32, #tpu.memory_space<hbm>>) target(%dma_start3A_352 : memref<128x16xf32, #tpu.memory_space<vmem>>) offsets(%dma_start3A_355 : memref<128xi32, #tpu.memory_space<vmem>>) semaphore(%arg7 : memref<!tpu.dma_semaphore, #tpu.memory_space<semaphore_mem>>)
      %mul3A_359 = arith.constant 13 : i32
      %mul3A_360 = arith.muli %scan3A_181, %mul3A_359 : i32
      %add3A_361 = arith.constant 12 : i32
      %add3A_362 = arith.addi %mul3A_360, %add3A_361 : i32
      %dma_start3A_363 = arith.constant 1536 : i32
      %dma_start3A_364 = arith.constant 0 : i32
      %dma_start3A_365 = tpu.memref_slice %arg6[%select_n3A_190, %dma_start3A_363, %dma_start3A_364] : memref<2x1664x16xf32, #tpu.memory_space<vmem>> -> memref<1x128x16xf32, #tpu.memory_space<vmem>>
      %dma_start3A_366 = tpu.memref_squeeze %dma_start3A_365 : memref<1x128x16xf32, #tpu.memory_space<vmem>> -> memref<128x16xf32, #tpu.memory_space<vmem>>
      %dma_start3A_367 = arith.constant 0 : i32
      %dma_start3A_368 = tpu.memref_slice %arg5[%add3A_362, %dma_start3A_367] : memref<104x128xi32, #tpu.memory_space<vmem>> -> memref<1x128xi32, #tpu.memory_space<vmem>>
      %dma_start3A_369 = tpu.memref_squeeze %dma_start3A_368 : memref<1x128xi32, #tpu.memory_space<vmem>> -> memref<128xi32, #tpu.memory_space<vmem>>
      %dma_start3A_370 = arith.constant 0 : i32
      %dma_start3A_371 = arith.constant 0 : i32
      %dma_start3A_372 = tpu.memref_slice %arg2[%dma_start3A_370, %dma_start3A_371] : memref<2600000x16xf32, #tpu.memory_space<hbm>> -> memref<2600000x16xf32, #tpu.memory_space<hbm>>
      tpu.enqueue_indirect_dma source(%dma_start3A_372 : memref<2600000x16xf32, #tpu.memory_space<hbm>>) target(%dma_start3A_366 : memref<128x16xf32, #tpu.memory_space<vmem>>) offsets(%dma_start3A_369 : memref<128xi32, #tpu.memory_space<vmem>>) semaphore(%arg7 : memref<!tpu.dma_semaphore, #tpu.memory_space<semaphore_mem>>)
      %sub3A = arith.constant 1 : i32
      %sub3A_373 = arith.subi %scan3A_181, %sub3A : i32
      %sub3A_374 = arith.constant 1 : i32
      %sub3A_375 = arith.subi %scan3A_181, %sub3A_374 : i32
      %jit3A_376 = arith.constant 2 : i32
      %eq3A_377 = arith.constant 0 : i32
      %eq3A_378 = arith.cmpi eq, %jit3A_376, %eq3A_377 : i32
      %jit3A_379 = arith.constant 1 : i32
      %select_n3A_380 = arith.select %eq3A_378, %jit3A_379, %jit3A_376 : i32
      %rem3A_381 = arith.remsi %sub3A_375, %select_n3A_380 : i32
      %ne3A_382 = arith.constant 0 : i32
      %ne3A_383 = arith.cmpi ne, %rem3A_381, %ne3A_382 : i32
      %lt3A_384 = arith.constant 0 : i32
      %lt3A_385 = arith.cmpi slt, %rem3A_381, %lt3A_384 : i32
      %lt3A_386 = arith.constant 0 : i32
      %lt3A_387 = arith.cmpi slt, %select_n3A_380, %lt3A_386 : i32
      %ne3A_388 = arith.xori %lt3A_385, %lt3A_387 : i1
      %and3A_389 = arith.andi %ne3A_388, %ne3A_383 : i1
      %add3A_390 = arith.addi %rem3A_381, %select_n3A_380 : i32
      %select_n3A_391 = arith.select %and3A_389, %add3A_390, %rem3A_381 : i32
      %dma_wait3A_392 = arith.constant 0 : i32
      %dma_wait3A_393 = arith.constant 0 : i32
      %dma_wait3A_394 = tpu.memref_slice %arg6[%select_n3A_391, %dma_wait3A_392, %dma_wait3A_393] : memref<2x1664x16xf32, #tpu.memory_space<vmem>> -> memref<1x1664x16xf32, #tpu.memory_space<vmem>>
      %dma_wait3A_395 = tpu.memref_squeeze %dma_wait3A_394 : memref<1x1664x16xf32, #tpu.memory_space<vmem>> -> memref<1664x16xf32, #tpu.memory_space<vmem>>
      %dma_wait3A_396 = arith.constant 0 : i32
      %dma_wait3A_397 = arith.constant 0 : i32
      %dma_wait3A_398 = tpu.memref_slice %arg4[%dma_wait3A_396, %dma_wait3A_397] : memref<425984x16xf32, #tpu.memory_space<hbm>> -> memref<1664x16xf32, #tpu.memory_space<hbm>>
      %dma_wait3A_399 = arith.constant 0 : i32
      %dma_wait3A_400 = arith.constant 0 : i32
      %dma_wait3A_401 = tpu.memref_slice %arg6[%select_n3A_391, %dma_wait3A_399, %dma_wait3A_400] : memref<2x1664x16xf32, #tpu.memory_space<vmem>> -> memref<1x1664x16xf32, #tpu.memory_space<vmem>>
      %dma_wait3A_402 = tpu.memref_squeeze %dma_wait3A_401 : memref<1x1664x16xf32, #tpu.memory_space<vmem>> -> memref<1664x16xf32, #tpu.memory_space<vmem>>
      %dma_wait3A_403 = arith.constant 0 : i32
      %dma_wait3A_404 = arith.constant 0 : i32
      %dma_wait3A_405 = tpu.memref_slice %arg4[%dma_wait3A_403, %dma_wait3A_404] : memref<425984x16xf32, #tpu.memory_space<hbm>> -> memref<1664x16xf32, #tpu.memory_space<hbm>>
      tpu.wait_dma2 semaphore(%arg7 : memref<!tpu.dma_semaphore, #tpu.memory_space<semaphore_mem>>) src(%dma_wait3A_405 : memref<1664x16xf32, #tpu.memory_space<hbm>>) dst(%dma_wait3A_402 : memref<1664x16xf32, #tpu.memory_space<vmem>>)
      %mul3A_406 = arith.constant 13312 : i32
      %mul3A_407 = arith.muli %add3A, %mul3A_406 : i32
      %mul3A_408 = arith.constant 1664 : i32
      %mul3A_409 = arith.muli %sub3A_373, %mul3A_408 : i32
      %add3A_410 = arith.addi %mul3A_407, %mul3A_409 : i32
      "tpu.region"() ({
        %run_scoped3A_411 = tpu.sem_alloc : memref<!tpu.dma_semaphore, #tpu.memory_space<semaphore_mem>>
        %dma_start3A_412 = arith.constant 0 : i32
        %dma_start3A_413 = arith.constant 0 : i32
        %dma_start3A_414 = tpu.memref_slice %arg6[%select_n3A_391, %dma_start3A_412, %dma_start3A_413] : memref<2x1664x16xf32, #tpu.memory_space<vmem>> -> memref<1x1664x16xf32, #tpu.memory_space<vmem>>
        %dma_start3A_415 = tpu.memref_squeeze %dma_start3A_414 : memref<1x1664x16xf32, #tpu.memory_space<vmem>> -> memref<1664x16xf32, #tpu.memory_space<vmem>>
        %dma_start3A_416 = arith.constant 0 : i32
        %dma_start3A_417 = tpu.memref_slice %arg4[%add3A_410, %dma_start3A_416] : memref<425984x16xf32, #tpu.memory_space<hbm>> -> memref<1664x16xf32, #tpu.memory_space<hbm>>
        %dma_start3A_418 = arith.constant 0 : i32
        %dma_start3A_419 = tpu.memref_slice %arg4[%add3A_410, %dma_start3A_418] : memref<425984x16xf32, #tpu.memory_space<hbm>> -> memref<1664x16xf32, #tpu.memory_space<hbm>>
        %dma_start3A_420 = arith.constant 0 : i32
        %dma_start3A_421 = arith.constant 0 : i32
        %dma_start3A_422 = tpu.memref_slice %arg6[%select_n3A_391, %dma_start3A_420, %dma_start3A_421] : memref<2x1664x16xf32, #tpu.memory_space<vmem>> -> memref<1x1664x16xf32, #tpu.memory_space<vmem>>
        %dma_start3A_423 = tpu.memref_squeeze %dma_start3A_422 : memref<1x1664x16xf32, #tpu.memory_space<vmem>> -> memref<1664x16xf32, #tpu.memory_space<vmem>>
        tpu.enqueue_dma source(%dma_start3A_423 : memref<1664x16xf32, #tpu.memory_space<vmem>>) target(%dma_start3A_419 : memref<1664x16xf32, #tpu.memory_space<hbm>>) target_semaphore(%run_scoped3A_411 : memref<!tpu.dma_semaphore, #tpu.memory_space<semaphore_mem>>)
        %dma_wait3A_424 = arith.constant 0 : i32
        %dma_wait3A_425 = arith.constant 0 : i32
        %dma_wait3A_426 = tpu.memref_slice %arg6[%select_n3A_391, %dma_wait3A_424, %dma_wait3A_425] : memref<2x1664x16xf32, #tpu.memory_space<vmem>> -> memref<1x1664x16xf32, #tpu.memory_space<vmem>>
        %dma_wait3A_427 = tpu.memref_squeeze %dma_wait3A_426 : memref<1x1664x16xf32, #tpu.memory_space<vmem>> -> memref<1664x16xf32, #tpu.memory_space<vmem>>
        %dma_wait3A_428 = arith.constant 0 : i32
        %dma_wait3A_429 = tpu.memref_slice %arg4[%add3A_410, %dma_wait3A_428] : memref<425984x16xf32, #tpu.memory_space<hbm>> -> memref<1664x16xf32, #tpu.memory_space<hbm>>
        %dma_wait3A_430 = arith.constant 0 : i32
        %dma_wait3A_431 = tpu.memref_slice %arg4[%add3A_410, %dma_wait3A_430] : memref<425984x16xf32, #tpu.memory_space<hbm>> -> memref<1664x16xf32, #tpu.memory_space<hbm>>
        %dma_wait3A_432 = arith.constant 0 : i32
        %dma_wait3A_433 = arith.constant 0 : i32
        %dma_wait3A_434 = tpu.memref_slice %arg6[%select_n3A_391, %dma_wait3A_432, %dma_wait3A_433] : memref<2x1664x16xf32, #tpu.memory_space<vmem>> -> memref<1x1664x16xf32, #tpu.memory_space<vmem>>
        %dma_wait3A_435 = tpu.memref_squeeze %dma_wait3A_434 : memref<1x1664x16xf32, #tpu.memory_space<vmem>> -> memref<1664x16xf32, #tpu.memory_space<vmem>>
        tpu.wait_dma2 semaphore(%run_scoped3A_411 : memref<!tpu.dma_semaphore, #tpu.memory_space<semaphore_mem>>) src(%dma_wait3A_435 : memref<1664x16xf32, #tpu.memory_space<vmem>>) dst(%dma_wait3A_431 : memref<1664x16xf32, #tpu.memory_space<hbm>>)
        tpu.yield
      }) : () -> ()
    }
    %scan3A_162 = arith.constant 7 : i32
    %dma_wait3A = arith.constant 1 : i32
    %dma_wait3A_163 = arith.constant 0 : i32
    %dma_wait3A_164 = arith.constant 0 : i32
    %dma_wait3A_165 = tpu.memref_slice %arg6[%dma_wait3A, %dma_wait3A_163, %dma_wait3A_164] : memref<2x1664x16xf32, #tpu.memory_space<vmem>> -> memref<1x1664x16xf32, #tpu.memory_space<vmem>>
    %dma_wait3A_166 = tpu.memref_squeeze %dma_wait3A_165 : memref<1x1664x16xf32, #tpu.memory_space<vmem>> -> memref<1664x16xf32, #tpu.memory_space<vmem>>
    %dma_wait3A_167 = arith.constant 0 : i32
    %dma_wait3A_168 = arith.constant 0 : i32
    %dma_wait3A_169 = tpu.memref_slice %arg4[%dma_wait3A_167, %dma_wait3A_168] : memref<425984x16xf32, #tpu.memory_space<hbm>> -> memref<1664x16xf32, #tpu.memory_space<hbm>>
    %dma_wait3A_170 = arith.constant 0 : i32
    %dma_wait3A_171 = arith.constant 0 : i32
    %dma_wait3A_172 = tpu.memref_slice %arg6[%dma_wait3A, %dma_wait3A_170, %dma_wait3A_171] : memref<2x1664x16xf32, #tpu.memory_space<vmem>> -> memref<1x1664x16xf32, #tpu.memory_space<vmem>>
    %dma_wait3A_173 = tpu.memref_squeeze %dma_wait3A_172 : memref<1x1664x16xf32, #tpu.memory_space<vmem>> -> memref<1664x16xf32, #tpu.memory_space<vmem>>
    %dma_wait3A_174 = arith.constant 0 : i32
    %dma_wait3A_175 = arith.constant 0 : i32
    %dma_wait3A_176 = tpu.memref_slice %arg4[%dma_wait3A_174, %dma_wait3A_175] : memref<425984x16xf32, #tpu.memory_space<hbm>> -> memref<1664x16xf32, #tpu.memory_space<hbm>>
    tpu.wait_dma2 semaphore(%arg7 : memref<!tpu.dma_semaphore, #tpu.memory_space<semaphore_mem>>) src(%dma_wait3A_176 : memref<1664x16xf32, #tpu.memory_space<hbm>>) dst(%dma_wait3A_173 : memref<1664x16xf32, #tpu.memory_space<vmem>>)
    %mul3A_177 = arith.constant 13312 : i32
    %mul3A_178 = arith.muli %add3A, %mul3A_177 : i32
    %add3A_179 = arith.constant 11648 : i32
    %add3A_180 = arith.addi %mul3A_178, %add3A_179 : i32
    %run_scoped3A = arith.constant 1 : i32
    "tpu.region"() ({
      %run_scoped3A_181 = tpu.sem_alloc : memref<!tpu.dma_semaphore, #tpu.memory_space<semaphore_mem>>
      %dma_start3A_182 = arith.constant 0 : i32
      %dma_start3A_183 = arith.constant 0 : i32
      %dma_start3A_184 = tpu.memref_slice %arg6[%run_scoped3A, %dma_start3A_182, %dma_start3A_183] : memref<2x1664x16xf32, #tpu.memory_space<vmem>> -> memref<1x1664x16xf32, #tpu.memory_space<vmem>>
      %dma_start3A_185 = tpu.memref_squeeze %dma_start3A_184 : memref<1x1664x16xf32, #tpu.memory_space<vmem>> -> memref<1664x16xf32, #tpu.memory_space<vmem>>
      %dma_start3A_186 = arith.constant 0 : i32
      %dma_start3A_187 = tpu.memref_slice %arg4[%add3A_180, %dma_start3A_186] : memref<425984x16xf32, #tpu.memory_space<hbm>> -> memref<1664x16xf32, #tpu.memory_space<hbm>>
      %dma_start3A_188 = arith.constant 0 : i32
      %dma_start3A_189 = tpu.memref_slice %arg4[%add3A_180, %dma_start3A_188] : memref<425984x16xf32, #tpu.memory_space<hbm>> -> memref<1664x16xf32, #tpu.memory_space<hbm>>
      %dma_start3A_190 = arith.constant 0 : i32
      %dma_start3A_191 = arith.constant 0 : i32
      %dma_start3A_192 = tpu.memref_slice %arg6[%run_scoped3A, %dma_start3A_190, %dma_start3A_191] : memref<2x1664x16xf32, #tpu.memory_space<vmem>> -> memref<1x1664x16xf32, #tpu.memory_space<vmem>>
      %dma_start3A_193 = tpu.memref_squeeze %dma_start3A_192 : memref<1x1664x16xf32, #tpu.memory_space<vmem>> -> memref<1664x16xf32, #tpu.memory_space<vmem>>
      tpu.enqueue_dma source(%dma_start3A_193 : memref<1664x16xf32, #tpu.memory_space<vmem>>) target(%dma_start3A_189 : memref<1664x16xf32, #tpu.memory_space<hbm>>) target_semaphore(%run_scoped3A_181 : memref<!tpu.dma_semaphore, #tpu.memory_space<semaphore_mem>>)
      %dma_wait3A_194 = arith.constant 0 : i32
      %dma_wait3A_195 = arith.constant 0 : i32
      %dma_wait3A_196 = tpu.memref_slice %arg6[%run_scoped3A, %dma_wait3A_194, %dma_wait3A_195] : memref<2x1664x16xf32, #tpu.memory_space<vmem>> -> memref<1x1664x16xf32, #tpu.memory_space<vmem>>
      %dma_wait3A_197 = tpu.memref_squeeze %dma_wait3A_196 : memref<1x1664x16xf32, #tpu.memory_space<vmem>> -> memref<1664x16xf32, #tpu.memory_space<vmem>>
      %dma_wait3A_198 = arith.constant 0 : i32
      %dma_wait3A_199 = tpu.memref_slice %arg4[%add3A_180, %dma_wait3A_198] : memref<425984x16xf32, #tpu.memory_space<hbm>> -> memref<1664x16xf32, #tpu.memory_space<hbm>>
      %dma_wait3A_200 = arith.constant 0 : i32
      %dma_wait3A_201 = tpu.memref_slice %arg4[%add3A_180, %dma_wait3A_200] : memref<425984x16xf32, #tpu.memory_space<hbm>> -> memref<1664x16xf32, #tpu.memory_space<hbm>>
      %dma_wait3A_202 = arith.constant 0 : i32
      %dma_wait3A_203 = arith.constant 0 : i32
      %dma_wait3A_204 = tpu.memref_slice %arg6[%run_scoped3A, %dma_wait3A_202, %dma_wait3A_203] : memref<2x1664x16xf32, #tpu.memory_space<vmem>> -> memref<1x1664x16xf32, #tpu.memory_space<vmem>>
      %dma_wait3A_205 = tpu.memref_squeeze %dma_wait3A_204 : memref<1x1664x16xf32, #tpu.memory_space<vmem>> -> memref<1664x16xf32, #tpu.memory_space<vmem>>
      tpu.wait_dma2 semaphore(%run_scoped3A_181 : memref<!tpu.dma_semaphore, #tpu.memory_space<semaphore_mem>>) src(%dma_wait3A_205 : memref<1664x16xf32, #tpu.memory_space<vmem>>) dst(%dma_wait3A_201 : memref<1664x16xf32, #tpu.memory_space<hbm>>)
      tpu.yield
    }) : () -> ()
    return
  }
}

module attributes {stable_mosaic.version = 14 : i64} {
  func.func @_dcn_body(%arg0: i32, %arg1: memref<1024x416xf32, #tpu.memory_space<vmem>>, %arg2: memref<3x416x416xbf16, #tpu.memory_space<vmem>>, %arg3: memref<3x1x416xf32, #tpu.memory_space<vmem>>, %arg4: memref<3x416x416xbf16, #tpu.memory_space<vmem>>, %arg5: memref<3x1x416xf32, #tpu.memory_space<vmem>>, %arg6: memref<2x416x416xbf16, #tpu.memory_space<vmem>>, %arg7: memref<2x1x416xf32, #tpu.memory_space<vmem>>, %arg8: memref<416x1xbf16, #tpu.memory_space<vmem>>, %arg9: memref<1x1xf32, #tpu.memory_space<vmem>>, %arg10: memref<1024x1xf32, #tpu.memory_space<vmem>>) attributes {dimension_semantics = [#tpu.dimension_semantics<arbitrary>], iteration_bounds = array<i64: 16>, scalar_prefetch = 0 : i64, scratch_operands = 0 : i64, tpu.core_type = #tpu.core_type<tc>, window_params = [{transform_indices = @transform_0, window_bounds = array<i64: 1024, 416>}, {pipeline_mode = #tpu.pipeline_mode<synchronous>, transform_indices = @transform_1, window_bounds = array<i64: 3, 416, 416>}, {pipeline_mode = #tpu.pipeline_mode<synchronous>, transform_indices = @transform_2, window_bounds = array<i64: 3, 1, 416>}, {pipeline_mode = #tpu.pipeline_mode<synchronous>, transform_indices = @transform_3, window_bounds = array<i64: 3, 416, 416>}, {pipeline_mode = #tpu.pipeline_mode<synchronous>, transform_indices = @transform_4, window_bounds = array<i64: 3, 1, 416>}, {pipeline_mode = #tpu.pipeline_mode<synchronous>, transform_indices = @transform_5, window_bounds = array<i64: 2, 416, 416>}, {pipeline_mode = #tpu.pipeline_mode<synchronous>, transform_indices = @transform_6, window_bounds = array<i64: 2, 1, 416>}, {pipeline_mode = #tpu.pipeline_mode<synchronous>, transform_indices = @transform_7, window_bounds = array<i64: 416, 1>}, {pipeline_mode = #tpu.pipeline_mode<synchronous>, transform_indices = @transform_8, window_bounds = array<i64: 1, 1>}, {transform_indices = @transform_9, window_bounds = array<i64: 1024, 1>}]} {
    %get3A = arith.constant 0 : index
    %get3A_0 = arith.constant 0 : index
    %get3A_1 = vector.load %arg1[%get3A, %get3A_0] : memref<1024x416xf32, #tpu.memory_space<vmem>>, vector<1024x416xf32>
    %get3A_2 = arith.constant 0 : index
    %get3A_3 = arith.constant 0 : index
    %get3A_4 = arith.constant 0 : index
    %get3A_5 = vector.load %arg2[%get3A_2, %get3A_3, %get3A_4] : memref<3x416x416xbf16, #tpu.memory_space<vmem>>, vector<1x416x416xbf16>
    %get3A_6 = vector.shape_cast %get3A_5 : vector<1x416x416xbf16> to vector<416x416xbf16>
    %convert_element_type3A = arith.truncf %get3A_1 : vector<1024x416xf32> to vector<1024x416xbf16>
    %dot_general3A = arith.constant dense<0.000000e+00> : vector<1024x416xf32>
    %dot_general3A_7 = tpu.matmul %convert_element_type3A, %get3A_6, %dot_general3A {dimension_numbers = #tpu.dot_dimension_numbers<[1], [0], [0], [1], [0, 0, 1, 1], [], []>, transpose_lhs_hint = false} : vector<1024x416xbf16>, vector<416x416xbf16>, vector<1024x416xf32> -> vector<1024x416xf32>
    %get3A_8 = arith.constant 0 : index
    %get3A_9 = arith.constant 0 : index
    %get3A_10 = arith.constant 0 : index
    %get3A_11 = vector.load %arg3[%get3A_8, %get3A_9, %get3A_10] : memref<3x1x416xf32, #tpu.memory_space<vmem>>, vector<1x1x416xf32>
    %get3A_12 = vector.shape_cast %get3A_11 : vector<1x1x416xf32> to vector<1x416xf32>
    %add3A = vector.broadcast %get3A_12 : vector<1x416xf32> to vector<1024x416xf32>
    %add3A_13 = arith.addf %dot_general3A_7, %add3A : vector<1024x416xf32>
    %get3A_14 = arith.constant 0 : index
    %get3A_15 = arith.constant 0 : index
    %get3A_16 = arith.constant 0 : index
    %get3A_17 = vector.load %arg4[%get3A_14, %get3A_15, %get3A_16] : memref<3x416x416xbf16, #tpu.memory_space<vmem>>, vector<1x416x416xbf16>
    %get3A_18 = vector.shape_cast %get3A_17 : vector<1x416x416xbf16> to vector<416x416xbf16>
    %convert_element_type3A_19 = arith.truncf %add3A_13 : vector<1024x416xf32> to vector<1024x416xbf16>
    %dot_general3A_20 = arith.constant dense<0.000000e+00> : vector<1024x416xf32>
    %dot_general3A_21 = tpu.matmul %convert_element_type3A_19, %get3A_18, %dot_general3A_20 {dimension_numbers = #tpu.dot_dimension_numbers<[1], [0], [0], [1], [0, 0, 1, 1], [], []>, transpose_lhs_hint = false} : vector<1024x416xbf16>, vector<416x416xbf16>, vector<1024x416xf32> -> vector<1024x416xf32>
    %get3A_22 = arith.constant 0 : index
    %get3A_23 = arith.constant 0 : index
    %get3A_24 = arith.constant 0 : index
    %get3A_25 = vector.load %arg5[%get3A_22, %get3A_23, %get3A_24] : memref<3x1x416xf32, #tpu.memory_space<vmem>>, vector<1x1x416xf32>
    %get3A_26 = vector.shape_cast %get3A_25 : vector<1x1x416xf32> to vector<1x416xf32>
    %add3A_27 = vector.broadcast %get3A_26 : vector<1x416xf32> to vector<1024x416xf32>
    %add3A_28 = arith.addf %dot_general3A_21, %add3A_27 : vector<1024x416xf32>
    %integer_pow3A = arith.mulf %add3A_28, %add3A_28 : vector<1024x416xf32>
    %integer_pow3A_29 = arith.mulf %add3A_28, %integer_pow3A : vector<1024x416xf32>
    %mul3A = arith.constant 4.471500e-02 : f32
    %mul3A_30 = vector.broadcast %mul3A : f32 to vector<1024x416xf32>
    %mul3A_31 = arith.mulf %mul3A_30, %integer_pow3A_29 : vector<1024x416xf32>
    %add3A_32 = arith.addf %add3A_28, %mul3A_31 : vector<1024x416xf32>
    %mul3A_33 = arith.constant 0.797884583 : f32
    %mul3A_34 = vector.broadcast %mul3A_33 : f32 to vector<1024x416xf32>
    %mul3A_35 = arith.mulf %mul3A_34, %add3A_32 : vector<1024x416xf32>
    %tanh3A = math.tanh %mul3A_35 : vector<1024x416xf32>
    %add3A_36 = arith.constant 1.000000e+00 : f32
    %add3A_37 = vector.broadcast %add3A_36 : f32 to vector<1024x416xf32>
    %add3A_38 = arith.addf %add3A_37, %tanh3A : vector<1024x416xf32>
    %mul3A_39 = arith.constant 5.000000e-01 : f32
    %mul3A_40 = vector.broadcast %mul3A_39 : f32 to vector<1024x416xf32>
    %mul3A_41 = arith.mulf %mul3A_40, %add3A_38 : vector<1024x416xf32>
    %mul3A_42 = arith.mulf %add3A_28, %mul3A_41 : vector<1024x416xf32>
    %mul3A_43 = arith.mulf %get3A_1, %mul3A_42 : vector<1024x416xf32>
    %add3A_44 = arith.addf %mul3A_43, %get3A_1 : vector<1024x416xf32>
    %get3A_45 = arith.constant 1 : index
    %get3A_46 = arith.constant 0 : index
    %get3A_47 = arith.constant 0 : index
    %get3A_48 = vector.load %arg2[%get3A_45, %get3A_46, %get3A_47] : memref<3x416x416xbf16, #tpu.memory_space<vmem>>, vector<1x416x416xbf16>
    %get3A_49 = vector.shape_cast %get3A_48 : vector<1x416x416xbf16> to vector<416x416xbf16>
    %convert_element_type3A_50 = arith.truncf %add3A_44 : vector<1024x416xf32> to vector<1024x416xbf16>
    %dot_general3A_51 = arith.constant dense<0.000000e+00> : vector<1024x416xf32>
    %dot_general3A_52 = tpu.matmul %convert_element_type3A_50, %get3A_49, %dot_general3A_51 {dimension_numbers = #tpu.dot_dimension_numbers<[1], [0], [0], [1], [0, 0, 1, 1], [], []>, transpose_lhs_hint = false} : vector<1024x416xbf16>, vector<416x416xbf16>, vector<1024x416xf32> -> vector<1024x416xf32>
    %get3A_53 = arith.constant 1 : index
    %get3A_54 = arith.constant 0 : index
    %get3A_55 = arith.constant 0 : index
    %get3A_56 = vector.load %arg3[%get3A_53, %get3A_54, %get3A_55] : memref<3x1x416xf32, #tpu.memory_space<vmem>>, vector<1x1x416xf32>
    %get3A_57 = vector.shape_cast %get3A_56 : vector<1x1x416xf32> to vector<1x416xf32>
    %add3A_58 = vector.broadcast %get3A_57 : vector<1x416xf32> to vector<1024x416xf32>
    %add3A_59 = arith.addf %dot_general3A_52, %add3A_58 : vector<1024x416xf32>
    %get3A_60 = arith.constant 1 : index
    %get3A_61 = arith.constant 0 : index
    %get3A_62 = arith.constant 0 : index
    %get3A_63 = vector.load %arg4[%get3A_60, %get3A_61, %get3A_62] : memref<3x416x416xbf16, #tpu.memory_space<vmem>>, vector<1x416x416xbf16>
    %get3A_64 = vector.shape_cast %get3A_63 : vector<1x416x416xbf16> to vector<416x416xbf16>
    %convert_element_type3A_65 = arith.truncf %add3A_59 : vector<1024x416xf32> to vector<1024x416xbf16>
    %dot_general3A_66 = arith.constant dense<0.000000e+00> : vector<1024x416xf32>
    %dot_general3A_67 = tpu.matmul %convert_element_type3A_65, %get3A_64, %dot_general3A_66 {dimension_numbers = #tpu.dot_dimension_numbers<[1], [0], [0], [1], [0, 0, 1, 1], [], []>, transpose_lhs_hint = false} : vector<1024x416xbf16>, vector<416x416xbf16>, vector<1024x416xf32> -> vector<1024x416xf32>
    %get3A_68 = arith.constant 1 : index
    %get3A_69 = arith.constant 0 : index
    %get3A_70 = arith.constant 0 : index
    %get3A_71 = vector.load %arg5[%get3A_68, %get3A_69, %get3A_70] : memref<3x1x416xf32, #tpu.memory_space<vmem>>, vector<1x1x416xf32>
    %get3A_72 = vector.shape_cast %get3A_71 : vector<1x1x416xf32> to vector<1x416xf32>
    %add3A_73 = vector.broadcast %get3A_72 : vector<1x416xf32> to vector<1024x416xf32>
    %add3A_74 = arith.addf %dot_general3A_67, %add3A_73 : vector<1024x416xf32>
    %integer_pow3A_75 = arith.mulf %add3A_74, %add3A_74 : vector<1024x416xf32>
    %integer_pow3A_76 = arith.mulf %add3A_74, %integer_pow3A_75 : vector<1024x416xf32>
    %mul3A_77 = arith.constant 4.471500e-02 : f32
    %mul3A_78 = vector.broadcast %mul3A_77 : f32 to vector<1024x416xf32>
    %mul3A_79 = arith.mulf %mul3A_78, %integer_pow3A_76 : vector<1024x416xf32>
    %add3A_80 = arith.addf %add3A_74, %mul3A_79 : vector<1024x416xf32>
    %mul3A_81 = arith.constant 0.797884583 : f32
    %mul3A_82 = vector.broadcast %mul3A_81 : f32 to vector<1024x416xf32>
    %mul3A_83 = arith.mulf %mul3A_82, %add3A_80 : vector<1024x416xf32>
    %tanh3A_84 = math.tanh %mul3A_83 : vector<1024x416xf32>
    %add3A_85 = arith.constant 1.000000e+00 : f32
    %add3A_86 = vector.broadcast %add3A_85 : f32 to vector<1024x416xf32>
    %add3A_87 = arith.addf %add3A_86, %tanh3A_84 : vector<1024x416xf32>
    %mul3A_88 = arith.constant 5.000000e-01 : f32
    %mul3A_89 = vector.broadcast %mul3A_88 : f32 to vector<1024x416xf32>
    %mul3A_90 = arith.mulf %mul3A_89, %add3A_87 : vector<1024x416xf32>
    %mul3A_91 = arith.mulf %add3A_74, %mul3A_90 : vector<1024x416xf32>
    %mul3A_92 = arith.mulf %get3A_1, %mul3A_91 : vector<1024x416xf32>
    %add3A_93 = arith.addf %mul3A_92, %add3A_44 : vector<1024x416xf32>
    %get3A_94 = arith.constant 2 : index
    %get3A_95 = arith.constant 0 : index
    %get3A_96 = arith.constant 0 : index
    %get3A_97 = vector.load %arg2[%get3A_94, %get3A_95, %get3A_96] : memref<3x416x416xbf16, #tpu.memory_space<vmem>>, vector<1x416x416xbf16>
    %get3A_98 = vector.shape_cast %get3A_97 : vector<1x416x416xbf16> to vector<416x416xbf16>
    %convert_element_type3A_99 = arith.truncf %add3A_93 : vector<1024x416xf32> to vector<1024x416xbf16>
    %dot_general3A_100 = arith.constant dense<0.000000e+00> : vector<1024x416xf32>
    %dot_general3A_101 = tpu.matmul %convert_element_type3A_99, %get3A_98, %dot_general3A_100 {dimension_numbers = #tpu.dot_dimension_numbers<[1], [0], [0], [1], [0, 0, 1, 1], [], []>, transpose_lhs_hint = false} : vector<1024x416xbf16>, vector<416x416xbf16>, vector<1024x416xf32> -> vector<1024x416xf32>
    %get3A_102 = arith.constant 2 : index
    %get3A_103 = arith.constant 0 : index
    %get3A_104 = arith.constant 0 : index
    %get3A_105 = vector.load %arg3[%get3A_102, %get3A_103, %get3A_104] : memref<3x1x416xf32, #tpu.memory_space<vmem>>, vector<1x1x416xf32>
    %get3A_106 = vector.shape_cast %get3A_105 : vector<1x1x416xf32> to vector<1x416xf32>
    %add3A_107 = vector.broadcast %get3A_106 : vector<1x416xf32> to vector<1024x416xf32>
    %add3A_108 = arith.addf %dot_general3A_101, %add3A_107 : vector<1024x416xf32>
    %get3A_109 = arith.constant 2 : index
    %get3A_110 = arith.constant 0 : index
    %get3A_111 = arith.constant 0 : index
    %get3A_112 = vector.load %arg4[%get3A_109, %get3A_110, %get3A_111] : memref<3x416x416xbf16, #tpu.memory_space<vmem>>, vector<1x416x416xbf16>
    %get3A_113 = vector.shape_cast %get3A_112 : vector<1x416x416xbf16> to vector<416x416xbf16>
    %convert_element_type3A_114 = arith.truncf %add3A_108 : vector<1024x416xf32> to vector<1024x416xbf16>
    %dot_general3A_115 = arith.constant dense<0.000000e+00> : vector<1024x416xf32>
    %dot_general3A_116 = tpu.matmul %convert_element_type3A_114, %get3A_113, %dot_general3A_115 {dimension_numbers = #tpu.dot_dimension_numbers<[1], [0], [0], [1], [0, 0, 1, 1], [], []>, transpose_lhs_hint = false} : vector<1024x416xbf16>, vector<416x416xbf16>, vector<1024x416xf32> -> vector<1024x416xf32>
    %get3A_117 = arith.constant 2 : index
    %get3A_118 = arith.constant 0 : index
    %get3A_119 = arith.constant 0 : index
    %get3A_120 = vector.load %arg5[%get3A_117, %get3A_118, %get3A_119] : memref<3x1x416xf32, #tpu.memory_space<vmem>>, vector<1x1x416xf32>
    %get3A_121 = vector.shape_cast %get3A_120 : vector<1x1x416xf32> to vector<1x416xf32>
    %add3A_122 = vector.broadcast %get3A_121 : vector<1x416xf32> to vector<1024x416xf32>
    %add3A_123 = arith.addf %dot_general3A_116, %add3A_122 : vector<1024x416xf32>
    %integer_pow3A_124 = arith.mulf %add3A_123, %add3A_123 : vector<1024x416xf32>
    %integer_pow3A_125 = arith.mulf %add3A_123, %integer_pow3A_124 : vector<1024x416xf32>
    %mul3A_126 = arith.constant 4.471500e-02 : f32
    %mul3A_127 = vector.broadcast %mul3A_126 : f32 to vector<1024x416xf32>
    %mul3A_128 = arith.mulf %mul3A_127, %integer_pow3A_125 : vector<1024x416xf32>
    %add3A_129 = arith.addf %add3A_123, %mul3A_128 : vector<1024x416xf32>
    %mul3A_130 = arith.constant 0.797884583 : f32
    %mul3A_131 = vector.broadcast %mul3A_130 : f32 to vector<1024x416xf32>
    %mul3A_132 = arith.mulf %mul3A_131, %add3A_129 : vector<1024x416xf32>
    %tanh3A_133 = math.tanh %mul3A_132 : vector<1024x416xf32>
    %add3A_134 = arith.constant 1.000000e+00 : f32
    %add3A_135 = vector.broadcast %add3A_134 : f32 to vector<1024x416xf32>
    %add3A_136 = arith.addf %add3A_135, %tanh3A_133 : vector<1024x416xf32>
    %mul3A_137 = arith.constant 5.000000e-01 : f32
    %mul3A_138 = vector.broadcast %mul3A_137 : f32 to vector<1024x416xf32>
    %mul3A_139 = arith.mulf %mul3A_138, %add3A_136 : vector<1024x416xf32>
    %mul3A_140 = arith.mulf %add3A_123, %mul3A_139 : vector<1024x416xf32>
    %mul3A_141 = arith.mulf %get3A_1, %mul3A_140 : vector<1024x416xf32>
    %add3A_142 = arith.addf %mul3A_141, %add3A_93 : vector<1024x416xf32>
    %get3A_143 = arith.constant 0 : index
    %get3A_144 = arith.constant 0 : index
    %get3A_145 = arith.constant 0 : index
    %get3A_146 = vector.load %arg6[%get3A_143, %get3A_144, %get3A_145] : memref<2x416x416xbf16, #tpu.memory_space<vmem>>, vector<1x416x416xbf16>
    %get3A_147 = vector.shape_cast %get3A_146 : vector<1x416x416xbf16> to vector<416x416xbf16>
    %convert_element_type3A_148 = arith.truncf %add3A_142 : vector<1024x416xf32> to vector<1024x416xbf16>
    %dot_general3A_149 = arith.constant dense<0.000000e+00> : vector<1024x416xf32>
    %dot_general3A_150 = tpu.matmul %convert_element_type3A_148, %get3A_147, %dot_general3A_149 {dimension_numbers = #tpu.dot_dimension_numbers<[1], [0], [0], [1], [0, 0, 1, 1], [], []>, transpose_lhs_hint = false} : vector<1024x416xbf16>, vector<416x416xbf16>, vector<1024x416xf32> -> vector<1024x416xf32>
    %get3A_151 = arith.constant 0 : index
    %get3A_152 = arith.constant 0 : index
    %get3A_153 = arith.constant 0 : index
    %get3A_154 = vector.load %arg7[%get3A_151, %get3A_152, %get3A_153] : memref<2x1x416xf32, #tpu.memory_space<vmem>>, vector<1x1x416xf32>
    %get3A_155 = vector.shape_cast %get3A_154 : vector<1x1x416xf32> to vector<1x416xf32>
    %add3A_156 = vector.broadcast %get3A_155 : vector<1x416xf32> to vector<1024x416xf32>
    %add3A_157 = arith.addf %dot_general3A_150, %add3A_156 : vector<1024x416xf32>
    %integer_pow3A_158 = arith.mulf %add3A_157, %add3A_157 : vector<1024x416xf32>
    %integer_pow3A_159 = arith.mulf %add3A_157, %integer_pow3A_158 : vector<1024x416xf32>
    %mul3A_160 = arith.constant 4.471500e-02 : f32
    %mul3A_161 = vector.broadcast %mul3A_160 : f32 to vector<1024x416xf32>
    %mul3A_162 = arith.mulf %mul3A_161, %integer_pow3A_159 : vector<1024x416xf32>
    %add3A_163 = arith.addf %add3A_157, %mul3A_162 : vector<1024x416xf32>
    %mul3A_164 = arith.constant 0.797884583 : f32
    %mul3A_165 = vector.broadcast %mul3A_164 : f32 to vector<1024x416xf32>
    %mul3A_166 = arith.mulf %mul3A_165, %add3A_163 : vector<1024x416xf32>
    %tanh3A_167 = math.tanh %mul3A_166 : vector<1024x416xf32>
    %add3A_168 = arith.constant 1.000000e+00 : f32
    %add3A_169 = vector.broadcast %add3A_168 : f32 to vector<1024x416xf32>
    %add3A_170 = arith.addf %add3A_169, %tanh3A_167 : vector<1024x416xf32>
    %mul3A_171 = arith.constant 5.000000e-01 : f32
    %mul3A_172 = vector.broadcast %mul3A_171 : f32 to vector<1024x416xf32>
    %mul3A_173 = arith.mulf %mul3A_172, %add3A_170 : vector<1024x416xf32>
    %mul3A_174 = arith.mulf %add3A_157, %mul3A_173 : vector<1024x416xf32>
    %get3A_175 = arith.constant 1 : index
    %get3A_176 = arith.constant 0 : index
    %get3A_177 = arith.constant 0 : index
    %get3A_178 = vector.load %arg6[%get3A_175, %get3A_176, %get3A_177] : memref<2x416x416xbf16, #tpu.memory_space<vmem>>, vector<1x416x416xbf16>
    %get3A_179 = vector.shape_cast %get3A_178 : vector<1x416x416xbf16> to vector<416x416xbf16>
    %convert_element_type3A_180 = arith.truncf %mul3A_174 : vector<1024x416xf32> to vector<1024x416xbf16>
    %dot_general3A_181 = arith.constant dense<0.000000e+00> : vector<1024x416xf32>
    %dot_general3A_182 = tpu.matmul %convert_element_type3A_180, %get3A_179, %dot_general3A_181 {dimension_numbers = #tpu.dot_dimension_numbers<[1], [0], [0], [1], [0, 0, 1, 1], [], []>, transpose_lhs_hint = false} : vector<1024x416xbf16>, vector<416x416xbf16>, vector<1024x416xf32> -> vector<1024x416xf32>
    %get3A_183 = arith.constant 1 : index
    %get3A_184 = arith.constant 0 : index
    %get3A_185 = arith.constant 0 : index
    %get3A_186 = vector.load %arg7[%get3A_183, %get3A_184, %get3A_185] : memref<2x1x416xf32, #tpu.memory_space<vmem>>, vector<1x1x416xf32>
    %get3A_187 = vector.shape_cast %get3A_186 : vector<1x1x416xf32> to vector<1x416xf32>
    %add3A_188 = vector.broadcast %get3A_187 : vector<1x416xf32> to vector<1024x416xf32>
    %add3A_189 = arith.addf %dot_general3A_182, %add3A_188 : vector<1024x416xf32>
    %integer_pow3A_190 = arith.mulf %add3A_189, %add3A_189 : vector<1024x416xf32>
    %integer_pow3A_191 = arith.mulf %add3A_189, %integer_pow3A_190 : vector<1024x416xf32>
    %mul3A_192 = arith.constant 4.471500e-02 : f32
    %mul3A_193 = vector.broadcast %mul3A_192 : f32 to vector<1024x416xf32>
    %mul3A_194 = arith.mulf %mul3A_193, %integer_pow3A_191 : vector<1024x416xf32>
    %add3A_195 = arith.addf %add3A_189, %mul3A_194 : vector<1024x416xf32>
    %mul3A_196 = arith.constant 0.797884583 : f32
    %mul3A_197 = vector.broadcast %mul3A_196 : f32 to vector<1024x416xf32>
    %mul3A_198 = arith.mulf %mul3A_197, %add3A_195 : vector<1024x416xf32>
    %tanh3A_199 = math.tanh %mul3A_198 : vector<1024x416xf32>
    %add3A_200 = arith.constant 1.000000e+00 : f32
    %add3A_201 = vector.broadcast %add3A_200 : f32 to vector<1024x416xf32>
    %add3A_202 = arith.addf %add3A_201, %tanh3A_199 : vector<1024x416xf32>
    %mul3A_203 = arith.constant 5.000000e-01 : f32
    %mul3A_204 = vector.broadcast %mul3A_203 : f32 to vector<1024x416xf32>
    %mul3A_205 = arith.mulf %mul3A_204, %add3A_202 : vector<1024x416xf32>
    %mul3A_206 = arith.mulf %add3A_189, %mul3A_205 : vector<1024x416xf32>
    %get3A_207 = arith.constant 0 : index
    %get3A_208 = arith.constant 0 : index
    %get3A_209 = vector.load %arg8[%get3A_207, %get3A_208] : memref<416x1xbf16, #tpu.memory_space<vmem>>, vector<416x1xbf16>
    %convert_element_type3A_210 = arith.truncf %mul3A_206 : vector<1024x416xf32> to vector<1024x416xbf16>
    %dot_general3A_211 = arith.constant dense<0.000000e+00> : vector<1024x1xf32>
    %dot_general3A_212 = tpu.matmul %convert_element_type3A_210, %get3A_209, %dot_general3A_211 {dimension_numbers = #tpu.dot_dimension_numbers<[1], [0], [0], [1], [0, 0, 1, 1], [], []>, transpose_lhs_hint = false} : vector<1024x416xbf16>, vector<416x1xbf16>, vector<1024x1xf32> -> vector<1024x1xf32>
    %get3A_213 = arith.constant 0 : index
    %get3A_214 = arith.constant 0 : index
    %get3A_215 = vector.load %arg9[%get3A_213, %get3A_214] : memref<1x1xf32, #tpu.memory_space<vmem>>, vector<1x1xf32>
    %add3A_216 = vector.broadcast %get3A_215 : vector<1x1xf32> to vector<1024x1xf32>
    %add3A_217 = arith.addf %dot_general3A_212, %add3A_216 : vector<1024x1xf32>
    %swap3A = arith.constant 0 : index
    %swap3A_218 = arith.constant 0 : index
    %swap3A_219 = vector.load %arg10[%swap3A, %swap3A_218] : memref<1024x1xf32, #tpu.memory_space<vmem>>, vector<1024x1xf32>
    tpu.vector_store %arg10[%swap3A, %swap3A_218], %add3A_217 {strides = array<i32>} : memref<1024x1xf32, #tpu.memory_space<vmem>>, vector<1024x1xf32>,
    return
  }
  func.func @transform_0(%arg0: i32) -> (i32, i32) {
    %c0_i32 = arith.constant 0 : i32
    %c0_i32_0 = arith.constant 0 : i32
    return %arg0, %c0_i32 : i32, i32
  }
  func.func @transform_1(%arg0: i32) -> (i32, i32, i32) {
    %c0_i32 = arith.constant 0 : i32
    %c0_i32_0 = arith.constant 0 : i32
    %c0_i32_1 = arith.constant 0 : i32
    %c0_i32_2 = arith.constant 0 : i32
    return %c0_i32, %c0_i32_0, %c0_i32_1 : i32, i32, i32
  }
  func.func @transform_2(%arg0: i32) -> (i32, i32, i32) {
    %c0_i32 = arith.constant 0 : i32
    %c0_i32_0 = arith.constant 0 : i32
    %c0_i32_1 = arith.constant 0 : i32
    %c0_i32_2 = arith.constant 0 : i32
    return %c0_i32, %c0_i32_0, %c0_i32_1 : i32, i32, i32
  }
  func.func @transform_3(%arg0: i32) -> (i32, i32, i32) {
    %c0_i32 = arith.constant 0 : i32
    %c0_i32_0 = arith.constant 0 : i32
    %c0_i32_1 = arith.constant 0 : i32
    %c0_i32_2 = arith.constant 0 : i32
    return %c0_i32, %c0_i32_0, %c0_i32_1 : i32, i32, i32
  }
  func.func @transform_4(%arg0: i32) -> (i32, i32, i32) {
    %c0_i32 = arith.constant 0 : i32
    %c0_i32_0 = arith.constant 0 : i32
    %c0_i32_1 = arith.constant 0 : i32
    %c0_i32_2 = arith.constant 0 : i32
    return %c0_i32, %c0_i32_0, %c0_i32_1 : i32, i32, i32
  }
  func.func @transform_5(%arg0: i32) -> (i32, i32, i32) {
    %c0_i32 = arith.constant 0 : i32
    %c0_i32_0 = arith.constant 0 : i32
    %c0_i32_1 = arith.constant 0 : i32
    %c0_i32_2 = arith.constant 0 : i32
    return %c0_i32, %c0_i32_0, %c0_i32_1 : i32, i32, i32
  }
  func.func @transform_6(%arg0: i32) -> (i32, i32, i32) {
    %c0_i32 = arith.constant 0 : i32
    %c0_i32_0 = arith.constant 0 : i32
    %c0_i32_1 = arith.constant 0 : i32
    %c0_i32_2 = arith.constant 0 : i32
    return %c0_i32, %c0_i32_0, %c0_i32_1 : i32, i32, i32
  }
  func.func @transform_7(%arg0: i32) -> (i32, i32) {
    %c0_i32 = arith.constant 0 : i32
    %c0_i32_0 = arith.constant 0 : i32
    %c0_i32_1 = arith.constant 0 : i32
    return %c0_i32, %c0_i32_0 : i32, i32
  }
  func.func @transform_8(%arg0: i32) -> (i32, i32) {
    %c0_i32 = arith.constant 0 : i32
    %c0_i32_0 = arith.constant 0 : i32
    %c0_i32_1 = arith.constant 0 : i32
    return %c0_i32, %c0_i32_0 : i32, i32
  }
  func.func @transform_9(%arg0: i32) -> (i32, i32) {
    %c0_i32 = arith.constant 0 : i32
    %c0_i32_0 = arith.constant 0 : i32
    return %arg0, %c0_i32 : i32, i32
  }
}

</mosaic_0001>

<sc_bundles>
// kernel: kernel.4.cloned.1.call-start
scs
__scs_entry_jumppad:
0x0: {  	(pc) =	sbr.rel $0x88, $3  }
0x1: {  	(tag) =	ssettag $0x0;
	lr =	simm.s32 $0x1  }
0x2: {  	[smem:$0x3F97] =	sst lr;
	_ =	strace $0xD0000000  }
0x3: {  	_ = 	snop  }
0x4: {  	_ = 	snop  }
0x5: {  	_ = 	snop  }
0x6: {  	_ = 	snop  }
0x7: {  	_ = 	snop  }
__scs_overlays_trampoline_lowered:
0x8: {  	[smem:$0x3FA6] =	sst s0  }
0x9: {  	[smem:$0x3FA7] =	sst s1  }
0xa: {  	[smem:$0x3FA8] =	sst s2  }
0xb: {  	[smem:$0x3FA9] =	sst s3  }
0xc: {  	[smem:$0x3FAA] =	sst s4  }
0xd: {  	[smem:$0x3FAB] =	sst s5  }
0xe: {  	[smem:$0x3FAC] =	sst s6  }
0xf: {  	[smem:$0x3FAD] =	sst s7  }
0x10: {  	[smem:$0x3FAE] =	sst s8  }
0x11: {  	[smem:$0x3FAF] =	sst s9;
	s0 =	simm.s32 @!p0 $0x0  }
0x12: {  	s1 =	sld [smem:$0x3F95];
	s0 =	simm.s32 @p0 $0x1  }
0x13: {  	[smem:$0x3FB0] =	sst s0;
	s0 =	simm.s32 @!p1 $0x0  }
0x14: {  	s2 =	sld [smem:$0x3F94];
	s0 =	simm.s32 @p1 $0x1  }
0x15: {  	[smem:$0x3FB1] =	sst s0;
	s0 =	simm.s32 @!p2 $0x0  }
0x16: {  	s3 =	sld [smem:$0x3FDB];
	s0 =	simm.s32 @p2 $0x1  }
0x17: {  	s4 =	simm.s32 $0x1BF5;
	[smem:$0x3FB3] =	sst s0  }
0x18: {  	s0 =	sld [smem:$0x3F96];
	_ =	swait.ge [sflag:s4], $0x0  }
0x19: {  	s7 =	sld [smem:$0x3F97]  }
0x1a: {  	s8 =	sadd.s32 $0xFFFFE003, lr  }
0x1b: {  	s9 =	sadd.s32 $0xFFFFFEF7, lr;
	s5 =	simm.s32 $0xFFFFFFFF;
	p2 =	slt.u32 s8, $0xFFFFF086  }
0x1c: {  	p1 =	slt.u32 s9, $0xF7A;
	s5 =	simm.s32 @!p2 $0x0  }
0x1d: {  	s5 =	simm.s32 @p1 $0x1;
	p0 =	seq.s32 s7, s2  }
0x1e: {  	s7 =	smul.u32 @!p0 $0xF7A, s2;
	p2 =	seq.s32 @!p0 s5, $0x0  }
0x1f: {  	s9 =	smul.u32 $0xF7A, s1;
	s8 =	simm.s32 @!p0 $0x1BF5;
	p2 =	por !p2, p0  }
0x20: {  	[sflag:s8] =	ssyncset.s32 @!p0 $0xFFFFF086;
	s6 =	sadd.s32 @!p0 s3, s7;
	s7 =	simm.s32 @!p0 $0x108  }
0x21: {  	s3 =	sadd.s32 s3, s9;
	s6 =	sadd.s32 @!p0 $0x88, s6;
	s7 =	simm.s32 @p2 $0x1082  }
0x22: {  	[simem:s7], [sflag:s8] =	dma.local @!p0 [hbm:s6], $0xF7A  }
0x23: {  	s9 =	sor.u32 $0xD0000000, s2;
	s6 =	simm.s32 $0x108;
	_ =	swait.ge @!p0 [sflag:s8], $0x0  }
0x24: {  	s3 =	sadd.s32 $0x88, s3;
	s6 =	simm.s32 @!p1 $0x1082;
	[sflag:s4] =	ssyncset.s32 $0xFFFFF086  }
0x25: {  	[simem:s6], [sflag:s4] =	dma.local [hbm:s3], $0xF7A  }
0x26: {  	[smem:$0x3F97] =	sst s1;
	(tag) =	ssettag s2;
	_ =	strace s9  }
0x27: {  	s1 =	sld [smem:$0x3FA7]  }
0x28: {  	s2 =	sld [smem:$0x3FA8]  }
0x29: {  	s4 =	sld [smem:$0x3FAA]  }
0x2a: {  	p0 =	seq.s32 s5, $0x0;
	s5 =	sld [smem:$0x3FAB]  }
0x2b: {  	s6 =	sld [smem:$0x3FAC]  }
0x2c: {  	s7 =	sld [smem:$0x3FAD]  }
0x2d: {  	s3 =	simm.s32 $0x108;
	s8 =	sld [smem:$0x3FAE]  }
0x2e: {  	s3 =	simm.s32 @!p0 $0x1082;
	s9 =	sld [smem:$0x3FAF]  }
0x2f: {  	lr =	sadd.s32 s0, s3;
	s0 =	sld [smem:$0x3FA6]  }
0x30: {  	s3 =	sld [smem:$0x3FA9]  }
0x31: {  	[smem:$0x3FB2] =	sst s10  }
0x32: {  	s10 =	sld [smem:$0x3FB0];
	_ =	sdelay $0x3  }
0x33: {  	p0 =	seq.s32 s10, $0x1;
	s10 =	sld [smem:$0x3FB2];
	_ =	sdelay $0x3  }
0x34: {  	[smem:$0x3FB2] =	sst s10  }
0x35: {  	s10 =	sld [smem:$0x3FB1];
	_ =	sdelay $0x3  }
0x36: {  	p1 =	seq.s32 s10, $0x1;
	s10 =	sld [smem:$0x3FB2];
	_ =	sdelay $0x3  }
0x37: {  	[smem:$0x3FB2] =	sst s10  }
0x38: {  	s10 =	sld [smem:$0x3FB3]  }
0x39: {  	_ = 	snop;
	(pc) =	sbr.ind lr, $3  }
0x3a: {  	_ = 	snop  }
0x3b: {  	_ = 	snop  }
0x3c: {  	p2 =	seq.s32 s10, $0x1;
	s10 =	sld [smem:$0x3FB2]  }
0x3d: {  	_ =	shalt  }
0x3e: {  	_ =	shalt  }
0x3f: {  	_ =	shalt  }
0x40: {  	_ =	shalt  }
0x41: {  	_ =	shalt  }
0x42: {  	_ =	shalt  }
0x43: {  	_ =	shalt  }
0x44: {  	_ =	shalt  }
0x45: {  	_ =	shalt  }
0x46: {  	_ =	shalt  }
0x47: {  	_ =	shalt  }
0x48: {  	_ =	shalt  }
0x49: {  	_ =	shalt  }
0x4a: {  	_ =	shalt  }
0x4b: {  	_ =	shalt  }
0x4c: {  	_ =	shalt  }
0x4d: {  	_ =	shalt  }
0x4e: {  	_ =	shalt  }
0x4f: {  	_ =	shalt  }
0x50: {  	_ =	shalt  }
0x51: {  	_ =	shalt  }
0x52: {  	_ =	shalt  }
0x53: {  	_ =	shalt  }
0x54: {  	_ =	shalt  }
0x55: {  	_ =	shalt  }
0x56: {  	_ =	shalt  }
0x57: {  	_ =	shalt  }
0x58: {  	_ =	shalt  }
0x59: {  	_ =	shalt  }
0x5a: {  	_ =	shalt  }
0x5b: {  	_ =	shalt  }
0x5c: {  	_ =	shalt  }
0x5d: {  	_ =	shalt  }
0x5e: {  	_ =	shalt  }
0x5f: {  	_ =	shalt  }
0x60: {  	_ =	shalt  }
0x61: {  	_ =	shalt  }
0x62: {  	_ =	shalt  }
0x63: {  	_ =	shalt  }
0x64: {  	_ =	shalt  }
0x65: {  	_ =	shalt  }
0x66: {  	_ =	shalt  }
0x67: {  	_ =	shalt  }
0x68: {  	_ =	shalt  }
0x69: {  	_ =	shalt  }
0x6a: {  	_ =	shalt  }
0x6b: {  	_ =	shalt  }
0x6c: {  	_ =	shalt  }
0x6d: {  	_ =	shalt  }
0x6e: {  	_ =	shalt  }
0x6f: {  	_ =	shalt  }
0x70: {  	_ =	shalt  }
0x71: {  	_ =	shalt  }
0x72: {  	_ =	shalt  }
0x73: {  	_ =	shalt  }
0x74: {  	_ =	shalt  }
0x75: {  	_ =	shalt  }
0x76: {  	_ =	shalt  }
0x77: {  	_ =	shalt  }
0x78: {  	_ =	shalt  }
0x79: {  	_ =	shalt  }
0x7a: {  	_ =	shalt  }
0x7b: {  	_ =	shalt  }
0x7c: {  	_ =	shalt  }
0x7d: {  	_ =	shalt  }
0x7e: {  	_ =	shalt  }
0x7f: {  	_ =	shalt  }
0x80: {  	_ =	shalt  }
0x81: {  	_ =	shalt  }
0x82: {  	_ =	shalt  }
0x83: {  	_ =	shalt  }
0x84: {  	_ =	shalt  }
0x85: {  	_ =	shalt  }
0x86: {  	_ =	shalt  }
0x87: {  	_ =	shalt  }
.Lfunc_end0:
.L_simem_size_0:
called_computation_lowered:
.L_overlay_start_0:
0x88: {  	s2 =	sld [smem:$0x3FD9]  }
0x89: {  	s3 =	sld [smem:$0x3FFE];
	_ =	sdelay $0x1  }
0x8a: {  	s1 =	srdreg.scid  }
0x8b: {  	s0 =	sand.u32 $0x1, s1  }
0x8c: {  	s16 =	sshll.u32 s0, $0xA;
	s2 =	sadd.s32 s3, s2  }
0x8d: {  	s2 =	sadd.s32 s2, s16  }
0x8e: {  	[smem:$0x3FBE] =	sst s2  }
0x8f: {  	_ = 	snop  }
0x90: {  	(tm) =	ssettm $0x1  }
0x91: {  	s17 =	sld [smem:$0x3FFB];
	_ =	sdelay $0x3  }
0x92: {  	_ =	strace s17  }
0x93: {  	s2 =	sld [smem:$0x3FFC];
	_ =	sdelay $0x3  }
0x94: {  	_ =	strace s2  }
0x95: {  	s2 =	sld [smem:$0x3FFD];
	_ =	sdelay $0x3  }
0x96: {  	_ =	strace s2  }
0x97: {  	_ =	strace $0x8FFFFFFF  }
0x98: {  	s18 =	sld [smem:$0x3FDB];
	_ =	sdelay $0x1  }
0x99: {  	s19 =	simm.s32 $_scs_section_size  }
0x9a: {  	s4 =	simm.s32 $_size__tile_overlayer_lowered;
	s5 =	simm.s32 $_tile_overlayer_lowered  }
0x9b: {  	s22 =	simm.s32 $0x1BFF;
	s21 =	sshll.u32 s5, $0x1;
	s2 =	sadd.s32 s19, s18  }
0x9c: {  	s6 =	simm.s32 $0x0;
	s20 =	sshll.u32 s4, $0x1;
	s4 =	sadd.s32 s21, s2  }
0x9d: {  	[timem:s6], [sflag:s22] =	dma.local [hbm:s4], s20  }
0x9e: {  	_ =	swait.ge [sflag:s22], s20  }
0x9f: {  	s3 =	ssub.s32 $0x0, s20;
	[sflag:s22] =	ssyncset.done $0x0  }
0xa0: {  	[sflag:s22] =	ssyncadd.s32 s3;
	_ =	sdelay $0x1  }
0xa1: {  	s23 =	simm.s32 $0x1B8B  }
0xa2: {  	_ =	swait.ge [sflag:s23], $0x1  }
0xa3: {  	[sflag:s23] =	ssyncset.done $0x0  }
0xa4: {  	s25 =	simm.s32 $0x1B8E;
	s24 =	sld [smem:$0x3FFE];
	[sflag:s23] =	ssyncadd.s32 $0xFFFFFFFF  }
0xa5: {  	s26 =	simm.s32 $execute0_lowered;
	[smem:$0x3FD2] =	sst s25  }
0xa6: {  	s4 =	sshll.u32 s26, $0x1;
	_ =	strace $0x80000046;
	[dreg:$0x1] =	wrdreg $0xFFFFFFFF  }
0xa7: {  	s28 =	simm.s32 $_size_execute0_lowered;
	s2 =	sadd.s32 s2, s4;
	[dreg:$0x0] =	wrdreg $0x0  }
0xa8: {  	s4 =	sshll.u32 s28, $0x1;
	[dreg:$0x2] =	wrdreg s2  }
0xa9: {  	[dreg:$0x3] =	wrdreg s4  }
0xaa: {  	[dreg:$0x4] =	wrdreg $0xC0  }
0xab: {  	_ =	task [dreg:s6], $0x5FFFF  }
0xac: {  	[dreg:$0x1] =	wrdreg $0xFFFFFFFF  }
0xad: {  	[dreg:$0x0] =	wrdreg $0x60  }
0xae: {  	[dreg:$0x2] =	wrdreg s24  }
0xaf: {  	[dreg:$0x3] =	wrdreg $0x9  }
0xb0: {  	_ =	task.clear_ibuf [dreg:s6], $0x4FFFF;
	_ =	strace $0x90000046  }
0xb1: {  	s29 =	simm.s32 $0x9;
	_ =	strace $0x80000048  }
0xb2: {  	_ =	swait.ge [sflag:s29], $0x1  }
0xb3: {  	[sflag:s29] =	ssyncadd.s32 $0xFFFFFFFF  }
0xb4: {  	_ =	strace $0x90000048  }
0xb5: {  	_ =	sfence  }
0xb6: {  	s30 =	sld [smem:$0x0];
	_ =	sdelay $0x2  }
0xb7: {  	s31 =	sshll.u32 s1, $0xD;
	s1 =	sshrl.u32 s1, $0x2  }
0xb8: {  	s3 =	sand.u32 $0x4000, s31;
	s1 =	sadd.s32 s1, s30  }
0xb9: {  	s0 =	sor.u32 s3, s0;
	s1 =	sshll.u32 s1, $0x11  }
0xba: {  	s0 =	sor.u32 s1, s0  }
0xbb: {  	s0 =	sadd.s32 $0x8F2B, s0  }
0xbc: {  	[sflag:s0] =	ssyncadd.remote.s32 $0x1  }
0xbd: {  	_ =	sfence.sel $0xFFFF  }
0xbe: {  	[dreg:$0x0] =	wrdreg $0xFFFFFFFF;
	(pc) =	sbr.abs _section_cstart, $3  }
0xbf: {  	[dreg:$0x1] =	wrdreg $0xFFFFFFFF  }
0xc0: {  	_ =	task.clear_ibuf [dreg:s6], $0x2FFFF;
	_ =	strace $0x9FFFFFFF  }
0xc1: {  	(tm) =	ssettm $0x7FFFFFFF  }
tec
execute0_lowered:
.L_overlay_start_1:
0x0: {  	(tag) =	ssettag $0x1  }
0x1: {  	s0 =	rddreg [dreg:$0x0];
	s1 =	srdreg.scid  }
0x2: {  	s8 =	stileid.u32;
	s2 =	simm.s32 $0x0;
	s9 =	simm.s32 $0x80  }
0x3: {  	s26 =	simm.s32 $0x6800;
	s23 =	simm.s32 $0x6C00;
	s24 =	simm.s32 $0x400  }
0x4: {  	s28 =	simm.s32 $0x7C00;
	s29 =	simm.s32 $0x500;
	s30 =	simm.s32 $0x8400  }
0x5: {  	s31 =	simm.s32 $0x580;
	s10 =	simm.s32 $0x9400;
	s11 =	simm.s32 $0x1  }
0x6: {  	s12 =	simm.s32 $0x9C00;
	s1 =	sand.u32 $0x1, s1;
	s3 =	sshll.u32 s8, $0x1  }
0x7: {  	[smem:$0x7FF] =	sst s2;
	s8 =	smul.u32 $0xD000, s8;
	s4 =	sor.u32 s1, s3  }
0x8: {  	_ =	strace $0x80000047;
	s6 =	ssub.s32 $0x2, s1;
	s1 =	smul.u32 $0x6800, s1  }
0x9: {  	s13 =	simm.s32 $0x0;
	s3 =	sadd.s32 $0x27ADA00, s0;
	s5 =	smul.u32 $0x680, s4  }
0xa: {  	[dreg:$0x2] =	wrdreg s26;
	s4 =	smul.u32 $0x34000, s4;
	s7 =	sshrl.u32 s6, $0x1  }
0xb: {  	s26 =	simm.s32 $0x480;
	s6 =	ssub.s32 s6, s7;
	s5 =	sadd.s32 s5, s0  }
0xc: {  	s0 =	sadd.s32 $0xE600, s0;
	s4 =	sshrl.u32 s4, $0x3;
	s6 =	smax.u32 s6, $0x1  }
0xd: {  	s25 =	sadd.s32 s0, s4;
	s4 =	sadd.s32 $0x1600, s5;
	s0 =	sadd.s32 s8, s0  }
0xe: {  	s8 =	simm.s32 $0x2;
	s5 =	sadd.s32 $0x5B00, s25;
	s15 =	sadd.s32 s1, s0  }
0xf: {  	s25 =	simm.s32 $0x7400;
	s0 =	simm.s32 $0x8C00;
	s1 =	simm.s32 $0x600  }
.LBB2_1:
0x10: {  	[tilespmem:s2], [sflag:$0x2] =	stream.linear.gather [hbm4b:s4+s2], $0x3400, $0x38;
	[tilespmem:$0x10400] =	vst v63  }
0x11: {  	_ =	swait.ge [sflag:s8], $0x3400  }
0x12: {  	[sflag:s8] =	ssyncset.done $0x0  }
0x13: {  	s7 =	simm.s32 $0x3400;
	[sflag:s8] =	ssyncadd.s32 $0xFFFFCC00  }
0x14: {  	[tilespmem:s7], [sflag:$0x1] =	stream.indirect.gather [hbm4b:s3+s9], $0x10, s2, s9, $0xb8;
	[tilespmem:$0x10400] =	vst v63  }
0x15: {  	s19 =	simm.s32 $0x3C00  }
0x16: {  	[tilespmem:s19], [sflag:$0x1] =	stream.indirect.gather [hbm4b:s3+s9], $0x10, s9, s9, $0xb8;
	[tilespmem:$0x10400] =	vst v63  }
0x17: {  	s20 =	simm.s32 $0x100;
	s14 =	simm.s32 $0x4400  }
0x18: {  	[tilespmem:s14], [sflag:$0x1] =	stream.indirect.gather [hbm4b:s3+s9], $0x10, s20, s9, $0xb8;
	[tilespmem:$0x10400] =	vst v63  }
0x19: {  	s21 =	simm.s32 $0x180;
	s22 =	simm.s32 $0x4C00  }
0x1a: {  	[tilespmem:s22], [sflag:$0x1] =	stream.indirect.gather [hbm4b:s3+s9], $0x10, s21, s9, $0xb8;
	[tilespmem:$0x10400] =	vst v63  }
0x1b: {  	s16 =	simm.s32 $0x5400;
	s14 =	simm.s32 $0x200  }
0x1c: {  	[tilespmem:s16], [sflag:$0x1] =	stream.indirect.gather [hbm4b:s3+s9], $0x10, s14, s9, $0xb8;
	[tilespmem:$0x10400] =	vst v63  }
0x1d: {  	s17 =	simm.s32 $0x280;
	s18 =	simm.s32 $0x5C00  }
0x1e: {  	[tilespmem:s18], [sflag:$0x1] =	stream.indirect.gather [hbm4b:s3+s9], $0x10, s17, s9, $0xb8;
	[tilespmem:$0x10400] =	vst v63  }
0x1f: {  	s19 =	simm.s32 $0x300;
	s20 =	simm.s32 $0x6400  }
0x20: {  	[tilespmem:s20], [sflag:$0x1] =	stream.indirect.gather [hbm4b:s3+s9], $0x10, s19, s9, $0xb8;
	[tilespmem:$0x10400] =	vst v63  }
0x21: {  	s21 =	simm.s32 $0x380  }
0x22: {  	[tilespmem:s23], [sflag:$0x1] =	stream.indirect.gather [hbm4b:s3+s9], $0x10, s21, s9, $0xb8;
	[tilespmem:$0x10400] =	vst v63  }
0x23: {  	_ = 	snop  }
0x24: {  	[tilespmem:s25], [sflag:$0x1] =	stream.indirect.gather [hbm4b:s3+s9], $0x10, s24, s9, $0xb8;
	[tilespmem:$0x10400] =	vst v63  }
0x25: {  	s14 =	simm.s32 $0x1  }
0x26: {  	[tilespmem:s28], [sflag:$0x1] =	stream.indirect.gather [hbm4b:s3+s9], $0x10, s26, s9, $0xb8;
	[tilespmem:$0x10400] =	vst v63  }
0x27: {  	s16 =	sand.u32 $0x1, s14  }
0x28: {  	[tilespmem:s30], [sflag:$0x1] =	stream.indirect.gather [hbm4b:s3+s9], $0x10, s29, s9, $0xb8;
	[tilespmem:$0x10400] =	vst v63  }
0x29: {  	s7 =	rddreg [dreg:$0x2];
	p0 =	seq.s32 s16, $0x1  }
0x2a: {  	[tilespmem:s0], [sflag:$0x1] =	stream.indirect.gather [hbm4b:s3+s9], $0x10, s31, s9, $0xb8;
	[tilespmem:$0x10400] =	vst v63  }
0x2b: {  	s7 =	simm.s32 @!p0 $0x0  }
0x2c: {  	[tilespmem:s10], [sflag:$0x1] =	stream.indirect.gather [hbm4b:s3+s9], $0x10, s1, s9, $0xb8;
	[tilespmem:$0x10400] =	vst v63  }
0x2d: {  	s17 =	simm.s32 $0x680;
	s22 =	sadd.s32 $0x3400, s7  }
0x2e: {  	[tilespmem:s22], [sflag:$0x1] =	stream.indirect.gather [hbm4b:s3+s9], $0x10, s17, s9, $0xb8;
	[tilespmem:$0x10400] =	vst v63  }
0x2f: {  	s18 =	simm.s32 $0x700;
	s17 =	sadd.s32 $0x3C00, s7  }
0x30: {  	[tilespmem:s17], [sflag:$0x1] =	stream.indirect.gather [hbm4b:s3+s9], $0x10, s18, s9, $0xb8;
	[tilespmem:$0x10400] =	vst v63  }
0x31: {  	s19 =	sadd.s32 $0x4400, s7;
	s20 =	simm.s32 $0x780  }
0x32: {  	[tilespmem:s19], [sflag:$0x1] =	stream.indirect.gather [hbm4b:s3+s9], $0x10, s20, s9, $0xb8;
	[tilespmem:$0x10400] =	vst v63  }
0x33: {  	s21 =	sadd.s32 $0x4C00, s7;
	s22 =	simm.s32 $0x800  }
0x34: {  	[tilespmem:s21], [sflag:$0x1] =	stream.indirect.gather [hbm4b:s3+s9], $0x10, s22, s9, $0xb8;
	[tilespmem:$0x10400] =	vst v63  }
0x35: {  	s17 =	sadd.s32 $0x5400, s7;
	s18 =	simm.s32 $0x880  }
0x36: {  	[tilespmem:s17], [sflag:$0x1] =	stream.indirect.gather [hbm4b:s3+s9], $0x10, s18, s9, $0xb8;
	[tilespmem:$0x10400] =	vst v63  }
0x37: {  	s19 =	sadd.s32 $0x5C00, s7;
	s20 =	simm.s32 $0x900  }
0x38: {  	[tilespmem:s19], [sflag:$0x1] =	stream.indirect.gather [hbm4b:s3+s9], $0x10, s20, s9, $0xb8;
	[tilespmem:$0x10400] =	vst v63  }
0x39: {  	s21 =	sadd.s32 $0x6400, s7;
	s22 =	simm.s32 $0x980  }
0x3a: {  	[tilespmem:s21], [sflag:$0x1] =	stream.indirect.gather [hbm4b:s3+s9], $0x10, s22, s9, $0xb8;
	[tilespmem:$0x10400] =	vst v63  }
0x3b: {  	s17 =	sadd.s32 $0x6C00, s7;
	s18 =	simm.s32 $0xA00  }
0x3c: {  	[tilespmem:s17], [sflag:$0x1] =	stream.indirect.gather [hbm4b:s3+s9], $0x10, s18, s9, $0xb8;
	[tilespmem:$0x10400] =	vst v63  }
0x3d: {  	s19 =	sadd.s32 $0x7400, s7;
	s20 =	simm.s32 $0xA80  }
0x3e: {  	[tilespmem:s19], [sflag:$0x1] =	stream.indirect.gather [hbm4b:s3+s9], $0x10, s20, s9, $0xb8;
	[tilespmem:$0x10400] =	vst v63  }
0x3f: {  	s21 =	sadd.s32 $0x7C00, s7;
	s22 =	simm.s32 $0xB00  }
0x40: {  	[tilespmem:s21], [sflag:$0x1] =	stream.indirect.gather [hbm4b:s3+s9], $0x10, s22, s9, $0xb8;
	[tilespmem:$0x10400] =	vst v63  }
0x41: {  	s17 =	sor.u32 $0x8400, s7;
	s18 =	simm.s32 $0xB80  }
0x42: {  	[tilespmem:s17], [sflag:$0x1] =	stream.indirect.gather [hbm4b:s3+s9], $0x10, s18, s9, $0xb8;
	[tilespmem:$0x10400] =	vst v63  }
0x43: {  	s19 =	sadd.s32 $0x8C00, s7;
	s20 =	simm.s32 $0xC00  }
0x44: {  	[tilespmem:s19], [sflag:$0x1] =	stream.indirect.gather [hbm4b:s3+s9], $0x10, s20, s9, $0xb8;
	[tilespmem:$0x10400] =	vst v63  }
0x45: {  	s7 =	sor.u32 $0x9400, s7;
	s21 =	simm.s32 $0xC80  }
0x46: {  	[tilespmem:s7], [sflag:$0x1] =	stream.indirect.gather [hbm4b:s3+s9], $0x10, s21, s9, $0xb8;
	[tilespmem:$0x10400] =	vst v63  }
0x47: {  	s22 =	sand.u32 $0x1, s2;
	_ =	swait.ge [sflag:s11], $0x6800  }
0x48: {  	p0 =	seq.s32 s22, $0x1;
	s7 =	simm.s32 $0x9C00;
	[sflag:s11] =	ssyncset.done $0x0  }
0x49: {  	s17 =	simm.s32 $0x1A00;
	s7 =	simm.s32 @!p0 $0x3400;
	[sflag:s11] =	ssyncadd.s32 $0xFFFF9800  }
0x4a: {  	[hbm4b:s15+s2] =	stream.linear.scatter [tilespmem:s7], [sflag:$0x2], $0x6800, $0x38;
	[tilespmem:$0x10400] =	vst v63  }
0x4b: {  	s18 =	simm.s32 $0x3400;
	s19 =	simm.s32 $0x2;
	_ =	swait.ge [sflag:s8], $0x6800  }
0x4c: {  	s7 =	smov.u32 s15;
	s16 =	rddreg [dreg:$0x2];
	[sflag:s8] =	ssyncset.done $0x0  }
.LBB2_2:
0x4d: {  	s20 =	sand.u32 $0x1, s19  }
0x4e: {  	[sflag:s8] =	ssyncadd.s32 $0xFFFF9800;
	p1 =	seq.s32 s20, $0x1  }
0x4f: {  	s21 =	smov.u32 s18;
	s20 =	sshra.s32 s17, $0x2;
	s16 =	simm.s32 @!p1 $0x0  }
0x50: {  	s17 =	smov.u32 s21;
	s22 =	sadd.s32 $0x680, s20;
	s21 =	sadd.s32 $0x3400, s16  }
0x51: {  	[tilespmem:s21], [sflag:$0x1] =	stream.indirect.gather [hbm4b:s3+s9], $0x10, s22, s9, $0xb8;
	[tilespmem:$0x10400] =	vst v63  }
0x52: {  	s21 =	sadd.s32 $0x3C00, s16;
	s22 =	sadd.s32 $0x700, s20  }
0x53: {  	[tilespmem:s21], [sflag:$0x1] =	stream.indirect.gather [hbm4b:s3+s9], $0x10, s22, s9, $0xb8;
	[tilespmem:$0x10400] =	vst v63  }
0x54: {  	s21 =	sadd.s32 $0x4400, s16;
	s22 =	sadd.s32 $0x780, s20  }
0x55: {  	[tilespmem:s21], [sflag:$0x1] =	stream.indirect.gather [hbm4b:s3+s9], $0x10, s22, s9, $0xb8;
	[tilespmem:$0x10400] =	vst v63  }
0x56: {  	s21 =	sadd.s32 $0x4C00, s16;
	s22 =	sadd.s32 $0x800, s20  }
0x57: {  	[tilespmem:s21], [sflag:$0x1] =	stream.indirect.gather [hbm4b:s3+s9], $0x10, s22, s9, $0xb8;
	[tilespmem:$0x10400] =	vst v63  }
0x58: {  	s21 =	sadd.s32 $0x5400, s16;
	s22 =	sadd.s32 $0x880, s20  }
0x59: {  	[tilespmem:s21], [sflag:$0x1] =	stream.indirect.gather [hbm4b:s3+s9], $0x10, s22, s9, $0xb8;
	[tilespmem:$0x10400] =	vst v63  }
0x5a: {  	s21 =	sadd.s32 $0x5C00, s16;
	s22 =	sadd.s32 $0x900, s20  }
0x5b: {  	[tilespmem:s21], [sflag:$0x1] =	stream.indirect.gather [hbm4b:s3+s9], $0x10, s22, s9, $0xb8;
	[tilespmem:$0x10400] =	vst v63  }
0x5c: {  	s21 =	sadd.s32 $0x6400, s16;
	s22 =	sadd.s32 $0x980, s20  }
0x5d: {  	[tilespmem:s21], [sflag:$0x1] =	stream.indirect.gather [hbm4b:s3+s9], $0x10, s22, s9, $0xb8;
	[tilespmem:$0x10400] =	vst v63  }
0x5e: {  	s21 =	sadd.s32 $0x6C00, s16;
	s22 =	sadd.s32 $0xA00, s20  }
0x5f: {  	[tilespmem:s21], [sflag:$0x1] =	stream.indirect.gather [hbm4b:s3+s9], $0x10, s22, s9, $0xb8;
	[tilespmem:$0x10400] =	vst v63  }
0x60: {  	s21 =	sadd.s32 $0x7400, s16;
	s22 =	sadd.s32 $0xA80, s20  }
0x61: {  	[tilespmem:s21], [sflag:$0x1] =	stream.indirect.gather [hbm4b:s3+s9], $0x10, s22, s9, $0xb8;
	[tilespmem:$0x10400] =	vst v63  }
0x62: {  	s21 =	sadd.s32 $0x7C00, s16;
	s22 =	sadd.s32 $0xB00, s20  }
0x63: {  	[tilespmem:s21], [sflag:$0x1] =	stream.indirect.gather [hbm4b:s3+s9], $0x10, s22, s9, $0xb8;
	[tilespmem:$0x10400] =	vst v63  }
0x64: {  	s21 =	sor.u32 $0x8400, s16;
	s22 =	sadd.s32 $0xB80, s20  }
0x65: {  	[tilespmem:s21], [sflag:$0x1] =	stream.indirect.gather [hbm4b:s3+s9], $0x10, s22, s9, $0xb8;
	[tilespmem:$0x10400] =	vst v63  }
0x66: {  	s21 =	sadd.s32 $0x8C00, s16;
	s22 =	sadd.s32 $0xC00, s20  }
0x67: {  	[tilespmem:s21], [sflag:$0x1] =	stream.indirect.gather [hbm4b:s3+s9], $0x10, s22, s9, $0xb8;
	[tilespmem:$0x10400] =	vst v63  }
0x68: {  	s16 =	sor.u32 $0x9400, s16;
	s20 =	sadd.s32 $0xC80, s20;
	s22 =	sand.u32 $0x1, s14  }
0x69: {  	[tilespmem:s16], [sflag:$0x1] =	stream.indirect.gather [hbm4b:s3+s9], $0x10, s20, s9, $0xb8;
	[tilespmem:$0x10400] =	vst v63  }
0x6a: {  	p0 =	sne.s32 s18, $0x9C00;
	p1 =	seq.s32 s22, $0x1;
	_ =	swait.ge [sflag:s11], $0x6800  }
.Ltmp0:
0x6b: {  	s16 =	simm.s32 $0x9C00;
	[sflag:s11] =	ssyncset.done $0x0;
	(pc) =	sbr.rel @p0 .LBB2_2-.Ltmp0, $4  }
0x6c: {  	s7 =	sadd.s32 $0xD00, s7;
	s16 =	simm.s32 @!p1 $0x3400;
	[sflag:s11] =	ssyncadd.s32 $0xFFFF9800  }
0x6d: {  	[hbm4b:s7+s2] =	stream.linear.scatter [tilespmem:s16], [sflag:$0x2], $0x6800, $0x38;
	[tilespmem:$0x10400] =	vst v63  }
0x6e: {  	s18 =	sadd.s32 $0x1A00, s18;
	s14 =	smov.u32 s19;
	_ =	swait.ge [sflag:s8], $0x6800  }
0x6f: {  	s19 =	sadd.s32 $0x1, s19;
	s16 =	rddreg [dreg:$0x2];
	[sflag:s8] =	ssyncset.done $0x0  }
0x70: {  	s18 =	sand.u32 $0x1, s19  }
0x71: {  	p0 =	seq.s32 s18, $0x1  }
0x72: {  	s17 =	sshra.s32 s17, $0x2;
	s16 =	simm.s32 @!p0 $0x0  }
0x73: {  	[sflag:s8] =	ssyncadd.s32 $0xFFFF9800;
	s20 =	sadd.s32 $0x680, s17;
	s19 =	sadd.s32 $0x3400, s16  }
0x74: {  	[tilespmem:s19], [sflag:$0x1] =	stream.indirect.gather [hbm4b:s3+s9], $0x10, s20, s9, $0xb8;
	[tilespmem:$0x10400] =	vst v63  }
0x75: {  	s22 =	sadd.s32 $0x700, s17;
	s21 =	sadd.s32 $0x3C00, s16  }
0x76: {  	[tilespmem:s21], [sflag:$0x1] =	stream.indirect.gather [hbm4b:s3+s9], $0x10, s22, s9, $0xb8;
	[tilespmem:$0x10400] =	vst v63  }
0x77: {  	s19 =	sadd.s32 $0x4400, s16;
	s20 =	sadd.s32 $0x780, s17  }
0x78: {  	[tilespmem:s19], [sflag:$0x1] =	stream.indirect.gather [hbm4b:s3+s9], $0x10, s20, s9, $0xb8;
	[tilespmem:$0x10400] =	vst v63  }
0x79: {  	s21 =	sadd.s32 $0x4C00, s16;
	s22 =	sadd.s32 $0x800, s17  }
0x7a: {  	[tilespmem:s21], [sflag:$0x1] =	stream.indirect.gather [hbm4b:s3+s9], $0x10, s22, s9, $0xb8;
	[tilespmem:$0x10400] =	vst v63  }
0x7b: {  	s19 =	sadd.s32 $0x5400, s16;
	s20 =	sadd.s32 $0x880, s17  }
0x7c: {  	[tilespmem:s19], [sflag:$0x1] =	stream.indirect.gather [hbm4b:s3+s9], $0x10, s20, s9, $0xb8;
	[tilespmem:$0x10400] =	vst v63  }
0x7d: {  	s21 =	sadd.s32 $0x5C00, s16;
	s22 =	sadd.s32 $0x900, s17  }
0x7e: {  	[tilespmem:s21], [sflag:$0x1] =	stream.indirect.gather [hbm4b:s3+s9], $0x10, s22, s9, $0xb8;
	[tilespmem:$0x10400] =	vst v63  }
0x7f: {  	s19 =	sadd.s32 $0x6400, s16;
	s20 =	sadd.s32 $0x980, s17  }
0x80: {  	[tilespmem:s19], [sflag:$0x1] =	stream.indirect.gather [hbm4b:s3+s9], $0x10, s20, s9, $0xb8;
	[tilespmem:$0x10400] =	vst v63  }
0x81: {  	s21 =	sadd.s32 $0x6C00, s16;
	s22 =	sadd.s32 $0xA00, s17  }
0x82: {  	[tilespmem:s21], [sflag:$0x1] =	stream.indirect.gather [hbm4b:s3+s9], $0x10, s22, s9, $0xb8;
	[tilespmem:$0x10400] =	vst v63  }
0x83: {  	s19 =	sadd.s32 $0x7400, s16;
	s20 =	sadd.s32 $0xA80, s17  }
0x84: {  	[tilespmem:s19], [sflag:$0x1] =	stream.indirect.gather [hbm4b:s3+s9], $0x10, s20, s9, $0xb8;
	[tilespmem:$0x10400] =	vst v63  }
0x85: {  	s21 =	sadd.s32 $0x7C00, s16;
	s22 =	sadd.s32 $0xB00, s17  }
0x86: {  	[tilespmem:s21], [sflag:$0x1] =	stream.indirect.gather [hbm4b:s3+s9], $0x10, s22, s9, $0xb8;
	[tilespmem:$0x10400] =	vst v63  }
0x87: {  	s19 =	sor.u32 $0x8400, s16;
	s20 =	sadd.s32 $0xB80, s17  }
0x88: {  	[tilespmem:s19], [sflag:$0x1] =	stream.indirect.gather [hbm4b:s3+s9], $0x10, s20, s9, $0xb8;
	[tilespmem:$0x10400] =	vst v63  }
0x89: {  	s21 =	sadd.s32 $0x8C00, s16;
	s22 =	sadd.s32 $0xC00, s17  }
0x8a: {  	[tilespmem:s21], [sflag:$0x1] =	stream.indirect.gather [hbm4b:s3+s9], $0x10, s22, s9, $0xb8;
	[tilespmem:$0x10400] =	vst v63  }
0x8b: {  	s16 =	sor.u32 $0x9400, s16;
	s17 =	sadd.s32 $0xC80, s17  }
0x8c: {  	[tilespmem:s16], [sflag:$0x1] =	stream.indirect.gather [hbm4b:s3+s9], $0x10, s17, s9, $0xb8;
	[tilespmem:$0x10400] =	vst v63  }
0x8d: {  	s14 =	sand.u32 $0x1, s14;
	_ =	swait.ge [sflag:s11], $0x6800  }
0x8e: {  	p0 =	seq.s32 s14, $0x1;
	s14 =	simm.s32 $0x9C00;
	[sflag:s11] =	ssyncset.done $0x0  }
0x8f: {  	s7 =	sadd.s32 $0xD00, s7;
	s14 =	simm.s32 @!p0 $0x3400;
	[sflag:s11] =	ssyncadd.s32 $0xFFFF9800  }
0x90: {  	[hbm4b:s7+s2] =	stream.linear.scatter [tilespmem:s14], [sflag:$0x2], $0x6800, $0x38;
	[tilespmem:$0x10400] =	vst v63  }
0x91: {  	_ =	swait.ge [sflag:s8], $0x6800  }
0x92: {  	[sflag:s8] =	ssyncset.done $0x0  }
0x93: {  	[sflag:s8] =	ssyncadd.s32 $0xFFFF9800  }
0x94: {  	s13 =	sadd.s32 $0x1, s13;
	_ =	swait.ge [sflag:s11], $0x6800  }
0x95: {  	p0 =	sne.s32 s13, s6;
	[sflag:s11] =	ssyncset.done $0x0  }
.Ltmp1:
0x96: {  	[sflag:s11] =	ssyncadd.s32 $0xFFFF9800;
	(pc) =	sbr.rel @p0 .LBB2_1-.Ltmp1, $4  }
0x97: {  	[hbm4b:s5+s2] =	stream.linear.scatter [tilespmem:s12], [sflag:$0x2], $0x6800, $0x38;
	[tilespmem:$0x10400] =	vst v63  }
0x98: {  	_ =	swait.ge [sflag:s8], $0x6800  }
0x99: {  	[sflag:s8] =	ssyncset.done $0x0  }
0x9a: {  	[sflag:s8] =	ssyncadd.s32 $0xFFFF9800  }
0x9b: {  	_ =	sfence.sel $0x180000  }
0x9c: {  	[bflag:$0x0] =	sbarrier.arrive $0xFFFF  }
0x9d: {  	_ =	strace $0x90000047  }
0x9e: {  	s0 =	stileid.u32;
	[bflag:$0x2] =	sbarrier.arrive $0xFFFF  }
0x9f: {  	p0 =	sne.s32 s0, $0x0;
	s0 =	rddreg [dreg:$0x1]  }
0xa0: {  	s0 =	sadd.s32 @!p0 $0x100000, s0  }
0xa1: {  	[sflag:s0] =	ssyncadd.tile.s32 @!p0 $0x1;
	_ =	shalt  }
.Lfunc_end2:
_tile_overlayer_lowered:
.L_overlay_start_2:
0xa2: {  	(tag) =	ssettag $0x2  }
0xa3: {  	s0 =	rddreg [dreg:$0x0];
	s2 =	stileid.u32  }
0xa4: {  	s1 =	rddreg [dreg:$0x1];
	p0 =	sne.s32 s2, $0x0  }
0xa5: {  	s3 =	rddreg [dreg:$0x2];
	[bflag:$0x3] =	sbarrier.arrive $0xFFFF;
	s2 =	simm.s32 @!p0 $0x1C02  }
0xa6: {  	[timem:s3], [sflag:s2] =	dma.local @!p0 [hbm:s0], s1  }
0xa7: {  	s0 =	simm.s32 @!p0 $0x2  }
0xa8: {  	_ =	swait.ge @!p0 [sflag:s0], s1  }
0xa9: {  	s1 =	ssub.s32 @!p0 $0x0, s1;
	[sflag:s0] =	ssyncset.done @!p0 $0x0  }
0xaa: {  	[sflag:s0] =	ssyncadd.s32 @!p0 s1  }
0xab: {  	[bflag:$0x3] =	sbarrier.arrive $0xFFFF  }
0xac: {  	_ =	shalt  }

</sc_bundles>
